<compile_context>
chip_gen: v7x
topology: tpu7x:2x2x1
jax: 0.10.2.dev20260603
libtpu: 0.0.44.dev20260713+nightly
codegen_flags: <defaults>
</compile_context>

<pallas_src>
import functools

import jax
import jax.numpy as jnp
from jax import lax
from jax.experimental import pallas as pl
from jax.experimental.pallas import tpu as pltpu
from jax.experimental.pallas import tpu_sc as plsc

IN_F = 4096
OUT_F = 4096
N_W = IN_F * OUT_F
RANK = 15938354
NC, NS, L = 2, 16, 16
NW = NC * NS
PER_W = N_W // NW
ROWS_W = OUT_F // NW
CROWS1 = 8
NCH1 = ROWS_W // CROWS1
CROWS2 = 4
NCH2 = ROWS_W // CROWS2
VPC = IN_F // L
UNROLL = 16
B1 = 16384
B2 = 65536

def _mesh():
    return plsc.VectorSubcoreMesh(
        core_axis_name="c", subcore_axis_name="s",
        num_cores=NC, num_subcores=NS,
    )


def _worker_id():
    return lax.axis_index("s") * NC + lax.axis_index("c")


def _zero_hist(hist, nbins):
    z = jnp.zeros((L,), jnp.int32)

    def body(i, _):
        for u in range(UNROLL):
            hist[pl.ds((i * UNROLL + u) * L, L)] = z
        return 0

    lax.fori_loop(0, nbins // (L * UNROLL), body, 0)


@functools.cache
def _hist_pass1_kernel():
    return pl.kernel(
        _hist_pass1_body,
        out_type=jax.ShapeDtypeStruct((NW, B1), jnp.int32),
        mesh=_mesh(),
        scratch_types=[
            pltpu.VMEM((CROWS1, IN_F), jnp.float32),
            pltpu.VMEM((CROWS1, IN_F), jnp.float32),
            pltpu.VMEM((B1,), jnp.int32),
            pltpu.SemaphoreType.DMA,
            pltpu.SemaphoreType.DMA,
        ],
        compiler_params=pltpu.CompilerParams(needs_layout_passes=False),
    )


def _hist_pass1_body(w_hbm, out_hbm, buf_a, buf_b, hist, sem_a, sem_b):
    wid = _worker_id()
    row0 = wid * ROWS_W
    _zero_hist(hist, B1)
    ones = jnp.ones((L,), jnp.int32)

    def start(g, buf, sem):
        g = jnp.minimum(g, NCH1 - 1)
        pltpu.async_copy(w_hbm.at[pl.ds(row0 + g * CROWS1, CROWS1), :], buf, sem)

    def process(buf):
        @plsc.parallel_loop(0, CROWS1 * VPC, unroll=UNROLL)
        def vec_body(j):
            r = lax.shift_right_logical(j, 8)
            c = j & (VPC - 1)
            p = plsc.bitcast(jnp.abs(buf[r, pl.ds(c * L, L)]), jnp.int32)
            b = jnp.minimum(lax.shift_right_logical(p, 16), B1 - 1)
            plsc.addupdate_scatter(hist, [b], ones)

    start(0, buf_a, sem_a)

    def pair_body(g2, _):
        start(2 * g2 + 1, buf_b, sem_b)
        pltpu.make_async_copy(w_hbm.at[pl.ds(0, CROWS1), :], buf_a, sem_a).wait()
        process(buf_a)
        start(2 * g2 + 2, buf_a, sem_a)
        pltpu.make_async_copy(w_hbm.at[pl.ds(0, CROWS1), :], buf_b, sem_b).wait()
        process(buf_b)
        return 0

    lax.fori_loop(0, NCH1 // 2, pair_body, 0)
    pltpu.make_async_copy(w_hbm.at[pl.ds(0, CROWS1), :], buf_a, sem_a).wait()
    pltpu.sync_copy(hist, out_hbm.at[wid])


@functools.cache
def _hist_pass2_kernel():
    return pl.kernel(
        _hist_pass2_body,
        out_type=jax.ShapeDtypeStruct((NW, B2), jnp.int32),
        mesh=_mesh(),
        scratch_types=[
            pltpu.VMEM((CROWS2, IN_F), jnp.float32),
            pltpu.VMEM((CROWS2, IN_F), jnp.float32),
            pltpu.VMEM((B2,), jnp.int32),
            pltpu.VMEM((L,), jnp.int32),
            pltpu.SemaphoreType.DMA,
            pltpu.SemaphoreType.DMA,
        ],
        compiler_params=pltpu.CompilerParams(needs_layout_passes=False),
    )


def _hist_pass2_body(w_hbm, b0_hbm, out_hbm, buf_a, buf_b, hist, b0_v,
                     sem_a, sem_b):
    wid = _worker_id()
    row0 = wid * ROWS_W
    _zero_hist(hist, B2)
    pltpu.sync_copy(b0_hbm, b0_v)
    b0 = b0_v[...]
    ones = jnp.ones((L,), jnp.int32)

    def start(g, buf, sem):
        g = jnp.minimum(g, NCH2 - 1)
        pltpu.async_copy(w_hbm.at[pl.ds(row0 + g * CROWS2, CROWS2), :], buf, sem)

    def process(buf):
        @plsc.parallel_loop(0, CROWS2 * VPC, unroll=UNROLL)
        def vec_body(j):
            r = lax.shift_right_logical(j, 8)
            c = j & (VPC - 1)
            p = plsc.bitcast(jnp.abs(buf[r, pl.ds(c * L, L)]), jnp.int32)
            top = lax.shift_right_logical(p, 16)
            low = p & 0xFFFF
            plsc.addupdate_scatter(hist, [low], ones, mask=top == b0)

    start(0, buf_a, sem_a)

    def pair_body(g2, _):
        start(2 * g2 + 1, buf_b, sem_b)
        pltpu.make_async_copy(w_hbm.at[pl.ds(0, CROWS2), :], buf_a, sem_a).wait()
        process(buf_a)
        start(2 * g2 + 2, buf_a, sem_a)
        pltpu.make_async_copy(w_hbm.at[pl.ds(0, CROWS2), :], buf_b, sem_b).wait()
        process(buf_b)
        return 0

    lax.fori_loop(0, NCH2 // 2, pair_body, 0)
    pltpu.make_async_copy(w_hbm.at[pl.ds(0, CROWS2), :], buf_a, sem_a).wait()
    pltpu.sync_copy(hist, out_hbm.at[wid])


BM = 2048
BN = 512


def _mm_body(t_ref, x_ref, w_ref, b_ref, o_ref):
    w = w_ref[...]
    t = t_ref[0, 0]
    w_eff = jnp.where(jnp.abs(w) >= t, w, 0.0).astype(jnp.bfloat16)
    acc = lax.dot_general(
        x_ref[...], w_eff, (((1,), (1,)), ((), ())),
        preferred_element_type=jnp.float32,
    )
    o_ref[...] = acc + b_ref[...]


def _masked_matmul(inputs, weight, bias, threshold):
    m_tokens = inputs.shape[0]
    grid = (m_tokens // BM, OUT_F // BN)
    return pl.pallas_call(
        _mm_body,
        grid=grid,
        in_specs=[
            pl.BlockSpec(memory_space=pltpu.SMEM),
            pl.BlockSpec((BM, IN_F), lambda m, n: (m, 0)),
            pl.BlockSpec((BN, IN_F), lambda m, n: (n, 0)),
            pl.BlockSpec((1, BN), lambda m, n: (0, n)),
        ],
        out_specs=pl.BlockSpec((BM, BN), lambda m, n: (m, n)),
        out_shape=jax.ShapeDtypeStruct((m_tokens, OUT_F), jnp.float32),
        compiler_params=pltpu.CompilerParams(
            dimension_semantics=("parallel", "parallel"),
            vmem_limit_bytes=100 * 1024 * 1024,
        ),
    )(threshold.reshape(1, 1), inputs.astype(jnp.bfloat16), weight,
      bias.reshape(1, OUT_F))


def _hist_pass2(w_flat, b0_vec):
    return _hist_pass2_kernel()(w_flat, b0_vec)


def _threshold_from_hists(w_flat, h1_rows):
    h1 = jnp.sum(h1_rows, axis=0)
    c1 = jnp.cumsum(h1)
    b0 = jnp.searchsorted(c1, RANK, side="right").astype(jnp.int32)
    below = jnp.where(b0 > 0, c1[jnp.maximum(b0 - 1, 0)], 0)
    r0 = RANK - below
    h2_rows = _hist_pass2(w_flat, jnp.full((L,), b0, jnp.int32))
    h2 = jnp.sum(h2_rows, axis=0)
    c2 = jnp.cumsum(h2)
    low = jnp.searchsorted(c2, r0, side="right").astype(jnp.int32)
    pattern = (b0 << 16) | low
    return lax.bitcast_convert_type(pattern, jnp.float32)


def kernel(inputs, weight, bias):
    h1_rows = _hist_pass1_kernel()(weight)
    threshold = _threshold_from_hists(weight, h1_rows)
    return _masked_matmul(inputs, weight, bias, threshold)

# --- scband reference (transcript-rebuilt; emitter-appended) ---
"""Pipeline reference for scband-top-kast-linear-22084721836128 (READ-ONLY COPY).

The authoritative reference and input builder live on the scoring server;
editing this copy changes nothing except your own understanding.
"""

import jax, jax.numpy as jnp
import numpy as np

IN_FEATURES = 4096
OUT_FEATURES = 4096
P_FORWARD = 0.95
P_BACKWARD = 0.9


def setup_inputs(seed: int = 0) -> dict:
    key = jax.random.key(seed)
    k1, k2, k3 = jax.random.split(key, 3)
    inputs = jax.random.normal(k1, (8192, IN_FEATURES), dtype=jnp.float32)
    # kaiming_uniform with a=sqrt(5) on (out, in) gives bound = 1/sqrt(in_features)
    bound = 1.0 / np.sqrt(IN_FEATURES)
    weight = jax.random.uniform(k2, (OUT_FEATURES, IN_FEATURES), minval=-bound, maxval=bound, dtype=jnp.float32)
    bias = jax.random.uniform(k3, (OUT_FEATURES,), minval=-bound, maxval=bound, dtype=jnp.float32)
    return {"inputs": inputs, "weight": weight, "bias": bias}


def reference(inputs, weight, bias):
    # TopKAST forward: active forward set A = weights whose |w| is in the top
    # (1 - p_forward) fraction (threshold = p_forward-quantile of |w|).
    # The just-backward set B\A participates in the sparse matmul with value 0
    # (weight_vector is cat(fwd_weights, zeros)), so the effective dense weight
    # is weight masked to the forward set.
    w_abs = jnp.abs(weight)
    threshold = jnp.quantile(w_abs.reshape(-1), P_FORWARD)
    mask_fwd = jax.lax.stop_gradient(w_abs >= threshold)
    w_eff = jnp.where(mask_fwd, weight, jnp.zeros_like(weight))
    # spmm(indices, weight_vector, out, in, inputs.T).T == inputs @ w_eff.T
    output = inputs @ w_eff.T + bias
    return output

if __name__ == "__main__":
    import jax
    _d = setup_inputs()
    print(jax.jit(kernel)(*tuple(_d.values())))

</pallas_src>

<mosaic_0001>
#map = affine_map<(d0, d1) -> (0, 0)>
module attributes {stable_mosaic.version = 14 : i64} {
  func.func @_hist_pass1_body(%arg0: i32, %arg1: i32, %arg2: memref<4096x4096xf32, #tpu.memory_space<hbm>>, %arg3: memref<32x16384xi32, #tpu.memory_space<hbm>>, %arg4: memref<8x4096xf32, #tpu.memory_space<vmem>>, %arg5: memref<8x4096xf32, #tpu.memory_space<vmem>>, %arg6: memref<16384xi32, #tpu.memory_space<vmem>>, %arg7: memref<!tpu.dma_semaphore, #tpu.memory_space<semaphore_mem>>, %arg8: memref<!tpu.dma_semaphore, #tpu.memory_space<semaphore_mem>>) attributes {dimension_semantics = [#tpu.dimension_semantics<core_parallel>, #tpu.dimension_semantics<subcore_parallel>], iteration_bounds = array<i64: 2, 16>, scalar_prefetch = 0 : i64, scratch_operands = 5 : i64, tpu.core_type = #tpu.core_type<sc_vector_subcore>, window_params = [{transform_indices = #map}, {transform_indices = #map}]} {
    %mul3A = arith.constant 2 : i32
    %mul3A_0 = arith.muli %arg1, %mul3A : i32
    %add3A = arith.addi %mul3A_0, %arg0 : i32
    %mul3A_1 = arith.constant 128 : i32
    %mul3A_2 = arith.muli %add3A, %mul3A_1 : i32
    %broadcast_in_dim3A = arith.constant 0 : i32
    %broadcast_in_dim3A_3 = vector.broadcast %broadcast_in_dim3A : i32 to vector<16xi32>
    %scan3A = arith.constant 0 : i32
    %scan3A_4 = arith.constant 0 : i32
    %scan3A_5 = arith.constant 64 : i32
    %scan3A_6 = arith.addi %scan3A_4, %scan3A_5 : i32
    %scan3A_7 = arith.constant 1 : i32
    %scan3A_8 = scf.for %scan3A_32 = %scan3A_4 to %scan3A_6 step %scan3A_7 iter_args(%scan3A_33 = %scan3A) -> (i32)  : i32 {
      %mul3A_34 = arith.constant 16 : i32
      %mul3A_35 = arith.muli %scan3A_32, %mul3A_34 : i32
      %add3A_36 = arith.constant 0 : i32
      %add3A_37 = arith.addi %mul3A_35, %add3A_36 : i32
      %mul3A_38 = arith.constant 16 : i32
      %mul3A_39 = arith.muli %add3A_37, %mul3A_38 : i32
      %swap3A = arith.index_cast %mul3A_39 : i32 to index
      %swap3A_40 = tpu.vector_load %arg6[%swap3A] {strides = array<i32>} : memref<16384xi32, #tpu.memory_space<vmem>>, vector<16xi32>,
      tpu.vector_store %arg6[%swap3A], %broadcast_in_dim3A_3 {strides = array<i32>} : memref<16384xi32, #tpu.memory_space<vmem>>, vector<16xi32>,
      %mul3A_41 = arith.constant 16 : i32
      %mul3A_42 = arith.muli %scan3A_32, %mul3A_41 : i32
      %add3A_43 = arith.constant 1 : i32
      %add3A_44 = arith.addi %mul3A_42, %add3A_43 : i32
      %mul3A_45 = arith.constant 16 : i32
      %mul3A_46 = arith.muli %add3A_44, %mul3A_45 : i32
      %swap3A_47 = arith.index_cast %mul3A_46 : i32 to index
      %swap3A_48 = tpu.vector_load %arg6[%swap3A_47] {strides = array<i32>} : memref<16384xi32, #tpu.memory_space<vmem>>, vector<16xi32>,
      tpu.vector_store %arg6[%swap3A_47], %broadcast_in_dim3A_3 {strides = array<i32>} : memref<16384xi32, #tpu.memory_space<vmem>>, vector<16xi32>,
      %mul3A_49 = arith.constant 16 : i32
      %mul3A_50 = arith.muli %scan3A_32, %mul3A_49 : i32
      %add3A_51 = arith.constant 2 : i32
      %add3A_52 = arith.addi %mul3A_50, %add3A_51 : i32
      %mul3A_53 = arith.constant 16 : i32
      %mul3A_54 = arith.muli %add3A_52, %mul3A_53 : i32
      %swap3A_55 = arith.index_cast %mul3A_54 : i32 to index
      %swap3A_56 = tpu.vector_load %arg6[%swap3A_55] {strides = array<i32>} : memref<16384xi32, #tpu.memory_space<vmem>>, vector<16xi32>,
      tpu.vector_store %arg6[%swap3A_55], %broadcast_in_dim3A_3 {strides = array<i32>} : memref<16384xi32, #tpu.memory_space<vmem>>, vector<16xi32>,
      %mul3A_57 = arith.constant 16 : i32
      %mul3A_58 = arith.muli %scan3A_32, %mul3A_57 : i32
      %add3A_59 = arith.constant 3 : i32
      %add3A_60 = arith.addi %mul3A_58, %add3A_59 : i32
      %mul3A_61 = arith.constant 16 : i32
      %mul3A_62 = arith.muli %add3A_60, %mul3A_61 : i32
      %swap3A_63 = arith.index_cast %mul3A_62 : i32 to index
      %swap3A_64 = tpu.vector_load %arg6[%swap3A_63] {strides = array<i32>} : memref<16384xi32, #tpu.memory_space<vmem>>, vector<16xi32>,
      tpu.vector_store %arg6[%swap3A_63], %broadcast_in_dim3A_3 {strides = array<i32>} : memref<16384xi32, #tpu.memory_space<vmem>>, vector<16xi32>,
      %mul3A_65 = arith.constant 16 : i32
      %mul3A_66 = arith.muli %scan3A_32, %mul3A_65 : i32
      %add3A_67 = arith.constant 4 : i32
      %add3A_68 = arith.addi %mul3A_66, %add3A_67 : i32
      %mul3A_69 = arith.constant 16 : i32
      %mul3A_70 = arith.muli %add3A_68, %mul3A_69 : i32
      %swap3A_71 = arith.index_cast %mul3A_70 : i32 to index
      %swap3A_72 = tpu.vector_load %arg6[%swap3A_71] {strides = array<i32>} : memref<16384xi32, #tpu.memory_space<vmem>>, vector<16xi32>,
      tpu.vector_store %arg6[%swap3A_71], %broadcast_in_dim3A_3 {strides = array<i32>} : memref<16384xi32, #tpu.memory_space<vmem>>, vector<16xi32>,
      %mul3A_73 = arith.constant 16 : i32
      %mul3A_74 = arith.muli %scan3A_32, %mul3A_73 : i32
      %add3A_75 = arith.constant 5 : i32
      %add3A_76 = arith.addi %mul3A_74, %add3A_75 : i32
      %mul3A_77 = arith.constant 16 : i32
      %mul3A_78 = arith.muli %add3A_76, %mul3A_77 : i32
      %swap3A_79 = arith.index_cast %mul3A_78 : i32 to index
      %swap3A_80 = tpu.vector_load %arg6[%swap3A_79] {strides = array<i32>} : memref<16384xi32, #tpu.memory_space<vmem>>, vector<16xi32>,
      tpu.vector_store %arg6[%swap3A_79], %broadcast_in_dim3A_3 {strides = array<i32>} : memref<16384xi32, #tpu.memory_space<vmem>>, vector<16xi32>,
      %mul3A_81 = arith.constant 16 : i32
      %mul3A_82 = arith.muli %scan3A_32, %mul3A_81 : i32
      %add3A_83 = arith.constant 6 : i32
      %add3A_84 = arith.addi %mul3A_82, %add3A_83 : i32
      %mul3A_85 = arith.constant 16 : i32
      %mul3A_86 = arith.muli %add3A_84, %mul3A_85 : i32
      %swap3A_87 = arith.index_cast %mul3A_86 : i32 to index
      %swap3A_88 = tpu.vector_load %arg6[%swap3A_87] {strides = array<i32>} : memref<16384xi32, #tpu.memory_space<vmem>>, vector<16xi32>,
      tpu.vector_store %arg6[%swap3A_87], %broadcast_in_dim3A_3 {strides = array<i32>} : memref<16384xi32, #tpu.memory_space<vmem>>, vector<16xi32>,
      %mul3A_89 = arith.constant 16 : i32
      %mul3A_90 = arith.muli %scan3A_32, %mul3A_89 : i32
      %add3A_91 = arith.constant 7 : i32
      %add3A_92 = arith.addi %mul3A_90, %add3A_91 : i32
      %mul3A_93 = arith.constant 16 : i32
      %mul3A_94 = arith.muli %add3A_92, %mul3A_93 : i32
      %swap3A_95 = arith.index_cast %mul3A_94 : i32 to index
      %swap3A_96 = tpu.vector_load %arg6[%swap3A_95] {strides = array<i32>} : memref<16384xi32, #tpu.memory_space<vmem>>, vector<16xi32>,
      tpu.vector_store %arg6[%swap3A_95], %broadcast_in_dim3A_3 {strides = array<i32>} : memref<16384xi32, #tpu.memory_space<vmem>>, vector<16xi32>,
      %mul3A_97 = arith.constant 16 : i32
      %mul3A_98 = arith.muli %scan3A_32, %mul3A_97 : i32
      %add3A_99 = arith.constant 8 : i32
      %add3A_100 = arith.addi %mul3A_98, %add3A_99 : i32
      %mul3A_101 = arith.constant 16 : i32
      %mul3A_102 = arith.muli %add3A_100, %mul3A_101 : i32
      %swap3A_103 = arith.index_cast %mul3A_102 : i32 to index
      %swap3A_104 = tpu.vector_load %arg6[%swap3A_103] {strides = array<i32>} : memref<16384xi32, #tpu.memory_space<vmem>>, vector<16xi32>,
      tpu.vector_store %arg6[%swap3A_103], %broadcast_in_dim3A_3 {strides = array<i32>} : memref<16384xi32, #tpu.memory_space<vmem>>, vector<16xi32>,
      %mul3A_105 = arith.constant 16 : i32
      %mul3A_106 = arith.muli %scan3A_32, %mul3A_105 : i32
      %add3A_107 = arith.constant 9 : i32
      %add3A_108 = arith.addi %mul3A_106, %add3A_107 : i32
      %mul3A_109 = arith.constant 16 : i32
      %mul3A_110 = arith.muli %add3A_108, %mul3A_109 : i32
      %swap3A_111 = arith.index_cast %mul3A_110 : i32 to index
      %swap3A_112 = tpu.vector_load %arg6[%swap3A_111] {strides = array<i32>} : memref<16384xi32, #tpu.memory_space<vmem>>, vector<16xi32>,
      tpu.vector_store %arg6[%swap3A_111], %broadcast_in_dim3A_3 {strides = array<i32>} : memref<16384xi32, #tpu.memory_space<vmem>>, vector<16xi32>,
      %mul3A_113 = arith.constant 16 : i32
      %mul3A_114 = arith.muli %scan3A_32, %mul3A_113 : i32
      %add3A_115 = arith.constant 10 : i32
      %add3A_116 = arith.addi %mul3A_114, %add3A_115 : i32
      %mul3A_117 = arith.constant 16 : i32
      %mul3A_118 = arith.muli %add3A_116, %mul3A_117 : i32
      %swap3A_119 = arith.index_cast %mul3A_118 : i32 to index
      %swap3A_120 = tpu.vector_load %arg6[%swap3A_119] {strides = array<i32>} : memref<16384xi32, #tpu.memory_space<vmem>>, vector<16xi32>,
      tpu.vector_store %arg6[%swap3A_119], %broadcast_in_dim3A_3 {strides = array<i32>} : memref<16384xi32, #tpu.memory_space<vmem>>, vector<16xi32>,
      %mul3A_121 = arith.constant 16 : i32
      %mul3A_122 = arith.muli %scan3A_32, %mul3A_121 : i32
      %add3A_123 = arith.constant 11 : i32
      %add3A_124 = arith.addi %mul3A_122, %add3A_123 : i32
      %mul3A_125 = arith.constant 16 : i32
      %mul3A_126 = arith.muli %add3A_124, %mul3A_125 : i32
      %swap3A_127 = arith.index_cast %mul3A_126 : i32 to index
      %swap3A_128 = tpu.vector_load %arg6[%swap3A_127] {strides = array<i32>} : memref<16384xi32, #tpu.memory_space<vmem>>, vector<16xi32>,
      tpu.vector_store %arg6[%swap3A_127], %broadcast_in_dim3A_3 {strides = array<i32>} : memref<16384xi32, #tpu.memory_space<vmem>>, vector<16xi32>,
      %mul3A_129 = arith.constant 16 : i32
      %mul3A_130 = arith.muli %scan3A_32, %mul3A_129 : i32
      %add3A_131 = arith.constant 12 : i32
      %add3A_132 = arith.addi %mul3A_130, %add3A_131 : i32
      %mul3A_133 = arith.constant 16 : i32
      %mul3A_134 = arith.muli %add3A_132, %mul3A_133 : i32
      %swap3A_135 = arith.index_cast %mul3A_134 : i32 to index
      %swap3A_136 = tpu.vector_load %arg6[%swap3A_135] {strides = array<i32>} : memref<16384xi32, #tpu.memory_space<vmem>>, vector<16xi32>,
      tpu.vector_store %arg6[%swap3A_135], %broadcast_in_dim3A_3 {strides = array<i32>} : memref<16384xi32, #tpu.memory_space<vmem>>, vector<16xi32>,
      %mul3A_137 = arith.constant 16 : i32
      %mul3A_138 = arith.muli %scan3A_32, %mul3A_137 : i32
      %add3A_139 = arith.constant 13 : i32
      %add3A_140 = arith.addi %mul3A_138, %add3A_139 : i32
      %mul3A_141 = arith.constant 16 : i32
      %mul3A_142 = arith.muli %add3A_140, %mul3A_141 : i32
      %swap3A_143 = arith.index_cast %mul3A_142 : i32 to index
      %swap3A_144 = tpu.vector_load %arg6[%swap3A_143] {strides = array<i32>} : memref<16384xi32, #tpu.memory_space<vmem>>, vector<16xi32>,
      tpu.vector_store %arg6[%swap3A_143], %broadcast_in_dim3A_3 {strides = array<i32>} : memref<16384xi32, #tpu.memory_space<vmem>>, vector<16xi32>,
      %mul3A_145 = arith.constant 16 : i32
      %mul3A_146 = arith.muli %scan3A_32, %mul3A_145 : i32
      %add3A_147 = arith.constant 14 : i32
      %add3A_148 = arith.addi %mul3A_146, %add3A_147 : i32
      %mul3A_149 = arith.constant 16 : i32
      %mul3A_150 = arith.muli %add3A_148, %mul3A_149 : i32
      %swap3A_151 = arith.index_cast %mul3A_150 : i32 to index
      %swap3A_152 = tpu.vector_load %arg6[%swap3A_151] {strides = array<i32>} : memref<16384xi32, #tpu.memory_space<vmem>>, vector<16xi32>,
      tpu.vector_store %arg6[%swap3A_151], %broadcast_in_dim3A_3 {strides = array<i32>} : memref<16384xi32, #tpu.memory_space<vmem>>, vector<16xi32>,
      %mul3A_153 = arith.constant 16 : i32
      %mul3A_154 = arith.muli %scan3A_32, %mul3A_153 : i32
      %add3A_155 = arith.constant 15 : i32
      %add3A_156 = arith.addi %mul3A_154, %add3A_155 : i32
      %mul3A_157 = arith.constant 16 : i32
      %mul3A_158 = arith.muli %add3A_156, %mul3A_157 : i32
      %swap3A_159 = arith.index_cast %mul3A_158 : i32 to index
      %swap3A_160 = tpu.vector_load %arg6[%swap3A_159] {strides = array<i32>} : memref<16384xi32, #tpu.memory_space<vmem>>, vector<16xi32>,
      tpu.vector_store %arg6[%swap3A_159], %broadcast_in_dim3A_3 {strides = array<i32>} : memref<16384xi32, #tpu.memory_space<vmem>>, vector<16xi32>,
      %scan3A_161 = arith.constant 0 : i32
      scf.yield %scan3A_161 : i32
    }
    %scan3A_9 = arith.constant 64 : i32
    %broadcast_in_dim3A_10 = arith.constant 1 : i32
    %broadcast_in_dim3A_11 = vector.broadcast %broadcast_in_dim3A_10 : i32 to vector<16xi32>
    %min3A = arith.constant 0 : i32
    %min3A_12 = arith.constant 15 : i32
    %min3A_13 = arith.minsi %min3A, %min3A_12 : i32
    %mul3A_14 = arith.constant 8 : i32
    %mul3A_15 = arith.muli %min3A_13, %mul3A_14 : i32
    %add3A_16 = arith.addi %mul3A_2, %mul3A_15 : i32
    %dma_start3A = arith.constant 0 : i32
    %dma_start3A_17 = tpu.memref_slice %arg2[%add3A_16, %dma_start3A] : memref<4096x4096xf32, #tpu.memory_space<hbm>> -> memref<8x4096xf32, #tpu.memory_space<hbm>>
    %dma_start3A_18 = arith.constant 0 : i32
    %dma_start3A_19 = tpu.memref_slice %arg2[%add3A_16, %dma_start3A_18] : memref<4096x4096xf32, #tpu.memory_space<hbm>> -> memref<8x4096xf32, #tpu.memory_space<hbm>>
    tpu.enqueue_dma source(%dma_start3A_19 : memref<8x4096xf32, #tpu.memory_space<hbm>>) target(%arg4 : memref<8x4096xf32, #tpu.memory_space<vmem>>) target_semaphore(%arg7 : memref<!tpu.dma_semaphore, #tpu.memory_space<semaphore_mem>>)
    %scan3A_20 = arith.constant 0 : i32
    %scan3A_21 = arith.constant 0 : i32
    %scan3A_22 = arith.constant 8 : i32
    %scan3A_23 = arith.addi %scan3A_21, %scan3A_22 : i32
    %scan3A_24 = arith.constant 1 : i32
    %scan3A_25 = scf.for %scan3A_32 = %scan3A_21 to %scan3A_23 step %scan3A_24 iter_args(%scan3A_33 = %scan3A_20) -> (i32)  : i32 {
      %mul3A_34 = arith.constant 2 : i32
      %mul3A_35 = arith.muli %mul3A_34, %scan3A_32 : i32
      %add3A_36 = arith.constant 1 : i32
      %add3A_37 = arith.addi %mul3A_35, %add3A_36 : i32
      %min3A_38 = arith.constant 15 : i32
      %min3A_39 = arith.minsi %add3A_37, %min3A_38 : i32
      %mul3A_40 = arith.constant 8 : i32
      %mul3A_41 = arith.muli %min3A_39, %mul3A_40 : i32
      %add3A_42 = arith.addi %mul3A_2, %mul3A_41 : i32
      %dma_start3A_43 = arith.constant 0 : i32
      %dma_start3A_44 = tpu.memref_slice %arg2[%add3A_42, %dma_start3A_43] : memref<4096x4096xf32, #tpu.memory_space<hbm>> -> memref<8x4096xf32, #tpu.memory_space<hbm>>
      %dma_start3A_45 = arith.constant 0 : i32
      %dma_start3A_46 = tpu.memref_slice %arg2[%add3A_42, %dma_start3A_45] : memref<4096x4096xf32, #tpu.memory_space<hbm>> -> memref<8x4096xf32, #tpu.memory_space<hbm>>
      tpu.enqueue_dma source(%dma_start3A_46 : memref<8x4096xf32, #tpu.memory_space<hbm>>) target(%arg5 : memref<8x4096xf32, #tpu.memory_space<vmem>>) target_semaphore(%arg8 : memref<!tpu.dma_semaphore, #tpu.memory_space<semaphore_mem>>)
      %dma_wait3A_47 = arith.constant 0 : i32
      %dma_wait3A_48 = arith.constant 0 : i32
      %dma_wait3A_49 = tpu.memref_slice %arg2[%dma_wait3A_47, %dma_wait3A_48] : memref<4096x4096xf32, #tpu.memory_space<hbm>> -> memref<8x4096xf32, #tpu.memory_space<hbm>>
      %dma_wait3A_50 = arith.constant 0 : i32
      %dma_wait3A_51 = arith.constant 0 : i32
      %dma_wait3A_52 = tpu.memref_slice %arg2[%dma_wait3A_50, %dma_wait3A_51] : memref<4096x4096xf32, #tpu.memory_space<hbm>> -> memref<8x4096xf32, #tpu.memory_space<hbm>>
      tpu.wait_dma2 semaphore(%arg7 : memref<!tpu.dma_semaphore, #tpu.memory_space<semaphore_mem>>) src(%dma_wait3A_52 : memref<8x4096xf32, #tpu.memory_space<hbm>>) dst(%arg4 : memref<8x4096xf32, #tpu.memory_space<vmem>>)
      %parallel_loop3A = arith.constant 0 : i32
      %parallel_loop3A_53 = arith.constant 2048 : i32
      %parallel_loop3A_54 = arith.constant 1 : i32
      scf.for %parallel_loop3A_78 = %parallel_loop3A to %parallel_loop3A_53 step %parallel_loop3A_54  : i32 {
        %parallel_loop3A_79 = arith.constant 8 : i32
        %parallel_loop3A_80 = arith.shrui %parallel_loop3A_78, %parallel_loop3A_79 : i32
        %parallel_loop3A_81 = arith.constant 255 : i32
        %parallel_loop3A_82 = arith.andi %parallel_loop3A_78, %parallel_loop3A_81 : i32
        %parallel_loop3A_83 = arith.constant 16 : i32
        %parallel_loop3A_84 = arith.muli %parallel_loop3A_82, %parallel_loop3A_83 : i32
        %parallel_loop3A_85 = arith.index_cast %parallel_loop3A_80 : i32 to index
        %parallel_loop3A_86 = arith.index_cast %parallel_loop3A_84 : i32 to index
        %parallel_loop3A_87 = tpu.vector_load %arg4[%parallel_loop3A_85, %parallel_loop3A_86] {strides = array<i32>} : memref<8x4096xf32, #tpu.memory_space<vmem>>, vector<16xf32>,
        %parallel_loop3A_88 = math.absf %parallel_loop3A_87 : vector<16xf32>
        %parallel_loop3A_89 = vector.bitcast %parallel_loop3A_88 : vector<16xf32> to vector<16xi32>
        %parallel_loop3A_90 = arith.constant 16 : i32
        %parallel_loop3A_91 = vector.broadcast %parallel_loop3A_90 : i32 to vector<16xi32>
        %parallel_loop3A_92 = arith.shrui %parallel_loop3A_89, %parallel_loop3A_91 : vector<16xi32>
        %parallel_loop3A_93 = arith.constant 16383 : i32
        %parallel_loop3A_94 = vector.broadcast %parallel_loop3A_93 : i32 to vector<16xi32>
        %parallel_loop3A_95 = arith.minsi %parallel_loop3A_92, %parallel_loop3A_94 : vector<16xi32>
        tpu.vector_store_idx %arg6[%parallel_loop3A_95], %broadcast_in_dim3A_11 {add = true} : memref<16384xi32, #tpu.memory_space<vmem>>[vector<16xi32>], vector<16xi32>,
      } {sc.loop_unroll_factor = 16 : i64, sc.parallel_access}
      %mul3A_55 = arith.constant 2 : i32
      %mul3A_56 = arith.muli %mul3A_55, %scan3A_32 : i32
      %add3A_57 = arith.constant 2 : i32
      %add3A_58 = arith.addi %mul3A_56, %add3A_57 : i32
      %min3A_59 = arith.constant 15 : i32
      %min3A_60 = arith.minsi %add3A_58, %min3A_59 : i32
      %mul3A_61 = arith.constant 8 : i32
      %mul3A_62 = arith.muli %min3A_60, %mul3A_61 : i32
      %add3A_63 = arith.addi %mul3A_2, %mul3A_62 : i32
      %dma_start3A_64 = arith.constant 0 : i32
      %dma_start3A_65 = tpu.memref_slice %arg2[%add3A_63, %dma_start3A_64] : memref<4096x4096xf32, #tpu.memory_space<hbm>> -> memref<8x4096xf32, #tpu.memory_space<hbm>>
      %dma_start3A_66 = arith.constant 0 : i32
      %dma_start3A_67 = tpu.memref_slice %arg2[%add3A_63, %dma_start3A_66] : memref<4096x4096xf32, #tpu.memory_space<hbm>> -> memref<8x4096xf32, #tpu.memory_space<hbm>>
      tpu.enqueue_dma source(%dma_start3A_67 : memref<8x4096xf32, #tpu.memory_space<hbm>>) target(%arg4 : memref<8x4096xf32, #tpu.memory_space<vmem>>) target_semaphore(%arg7 : memref<!tpu.dma_semaphore, #tpu.memory_space<semaphore_mem>>)
      %dma_wait3A_68 = arith.constant 0 : i32
      %dma_wait3A_69 = arith.constant 0 : i32
      %dma_wait3A_70 = tpu.memref_slice %arg2[%dma_wait3A_68, %dma_wait3A_69] : memref<4096x4096xf32, #tpu.memory_space<hbm>> -> memref<8x4096xf32, #tpu.memory_space<hbm>>
      %dma_wait3A_71 = arith.constant 0 : i32
      %dma_wait3A_72 = arith.constant 0 : i32
      %dma_wait3A_73 = tpu.memref_slice %arg2[%dma_wait3A_71, %dma_wait3A_72] : memref<4096x4096xf32, #tpu.memory_space<hbm>> -> memref<8x4096xf32, #tpu.memory_space<hbm>>
      tpu.wait_dma2 semaphore(%arg8 : memref<!tpu.dma_semaphore, #tpu.memory_space<semaphore_mem>>) src(%dma_wait3A_73 : memref<8x4096xf32, #tpu.memory_space<hbm>>) dst(%arg5 : memref<8x4096xf32, #tpu.memory_space<vmem>>)
      %parallel_loop3A_74 = arith.constant 0 : i32
      %parallel_loop3A_75 = arith.constant 2048 : i32
      %parallel_loop3A_76 = arith.constant 1 : i32
      scf.for %parallel_loop3A_78 = %parallel_loop3A_74 to %parallel_loop3A_75 step %parallel_loop3A_76  : i32 {
        %parallel_loop3A_79 = arith.constant 8 : i32
        %parallel_loop3A_80 = arith.shrui %parallel_loop3A_78, %parallel_loop3A_79 : i32
        %parallel_loop3A_81 = arith.constant 255 : i32
        %parallel_loop3A_82 = arith.andi %parallel_loop3A_78, %parallel_loop3A_81 : i32
        %parallel_loop3A_83 = arith.constant 16 : i32
        %parallel_loop3A_84 = arith.muli %parallel_loop3A_82, %parallel_loop3A_83 : i32
        %parallel_loop3A_85 = arith.index_cast %parallel_loop3A_80 : i32 to index
        %parallel_loop3A_86 = arith.index_cast %parallel_loop3A_84 : i32 to index
        %parallel_loop3A_87 = tpu.vector_load %arg5[%parallel_loop3A_85, %parallel_loop3A_86] {strides = array<i32>} : memref<8x4096xf32, #tpu.memory_space<vmem>>, vector<16xf32>,
        %parallel_loop3A_88 = math.absf %parallel_loop3A_87 : vector<16xf32>
        %parallel_loop3A_89 = vector.bitcast %parallel_loop3A_88 : vector<16xf32> to vector<16xi32>
        %parallel_loop3A_90 = arith.constant 16 : i32
        %parallel_loop3A_91 = vector.broadcast %parallel_loop3A_90 : i32 to vector<16xi32>
        %parallel_loop3A_92 = arith.shrui %parallel_loop3A_89, %parallel_loop3A_91 : vector<16xi32>
        %parallel_loop3A_93 = arith.constant 16383 : i32
        %parallel_loop3A_94 = vector.broadcast %parallel_loop3A_93 : i32 to vector<16xi32>
        %parallel_loop3A_95 = arith.minsi %parallel_loop3A_92, %parallel_loop3A_94 : vector<16xi32>
        tpu.vector_store_idx %arg6[%parallel_loop3A_95], %broadcast_in_dim3A_11 {add = true} : memref<16384xi32, #tpu.memory_space<vmem>>[vector<16xi32>], vector<16xi32>,
      } {sc.loop_unroll_factor = 16 : i64, sc.parallel_access}
      %scan3A_77 = arith.constant 0 : i32
      scf.yield %scan3A_77 : i32
    }
    %scan3A_26 = arith.constant 8 : i32
    %dma_wait3A = arith.constant 0 : i32
    %dma_wait3A_27 = arith.constant 0 : i32
    %dma_wait3A_28 = tpu.memref_slice %arg2[%dma_wait3A, %dma_wait3A_27] : memref<4096x4096xf32, #tpu.memory_space<hbm>> -> memref<8x4096xf32, #tpu.memory_space<hbm>>
    %dma_wait3A_29 = arith.constant 0 : i32
    %dma_wait3A_30 = arith.constant 0 : i32
    %dma_wait3A_31 = tpu.memref_slice %arg2[%dma_wait3A_29, %dma_wait3A_30] : memref<4096x4096xf32, #tpu.memory_space<hbm>> -> memref<8x4096xf32, #tpu.memory_space<hbm>>
    tpu.wait_dma2 semaphore(%arg7 : memref<!tpu.dma_semaphore, #tpu.memory_space<semaphore_mem>>) src(%dma_wait3A_31 : memref<8x4096xf32, #tpu.memory_space<hbm>>) dst(%arg4 : memref<8x4096xf32, #tpu.memory_space<vmem>>)
    "tpu.region"() ({
      %run_scoped3A = tpu.sem_alloc : memref<!tpu.dma_semaphore, #tpu.memory_space<semaphore_mem>>
      %dma_start3A_32 = arith.constant 0 : i32
      %dma_start3A_33 = tpu.memref_slice %arg3[%add3A, %dma_start3A_32] : memref<32x16384xi32, #tpu.memory_space<hbm>> -> memref<1x16384xi32, #tpu.memory_space<hbm>>
      %dma_start3A_34 = tpu.memref_squeeze %dma_start3A_33 : memref<1x16384xi32, #tpu.memory_space<hbm>> -> memref<16384xi32, #tpu.memory_space<hbm>>
      %dma_start3A_35 = arith.constant 0 : i32
      %dma_start3A_36 = tpu.memref_slice %arg3[%add3A, %dma_start3A_35] : memref<32x16384xi32, #tpu.memory_space<hbm>> -> memref<1x16384xi32, #tpu.memory_space<hbm>>
      %dma_start3A_37 = tpu.memref_squeeze %dma_start3A_36 : memref<1x16384xi32, #tpu.memory_space<hbm>> -> memref<16384xi32, #tpu.memory_space<hbm>>
      tpu.enqueue_dma source(%arg6 : memref<16384xi32, #tpu.memory_space<vmem>>) target(%dma_start3A_37 : memref<16384xi32, #tpu.memory_space<hbm>>) target_semaphore(%run_scoped3A : memref<!tpu.dma_semaphore, #tpu.memory_space<semaphore_mem>>)
      %dma_wait3A_38 = arith.constant 0 : i32
      %dma_wait3A_39 = tpu.memref_slice %arg3[%add3A, %dma_wait3A_38] : memref<32x16384xi32, #tpu.memory_space<hbm>> -> memref<1x16384xi32, #tpu.memory_space<hbm>>
      %dma_wait3A_40 = tpu.memref_squeeze %dma_wait3A_39 : memref<1x16384xi32, #tpu.memory_space<hbm>> -> memref<16384xi32, #tpu.memory_space<hbm>>
      %dma_wait3A_41 = arith.constant 0 : i32
      %dma_wait3A_42 = tpu.memref_slice %arg3[%add3A, %dma_wait3A_41] : memref<32x16384xi32, #tpu.memory_space<hbm>> -> memref<1x16384xi32, #tpu.memory_space<hbm>>
      %dma_wait3A_43 = tpu.memref_squeeze %dma_wait3A_42 : memref<1x16384xi32, #tpu.memory_space<hbm>> -> memref<16384xi32, #tpu.memory_space<hbm>>
      tpu.wait_dma2 semaphore(%run_scoped3A : memref<!tpu.dma_semaphore, #tpu.memory_space<semaphore_mem>>) src(%arg6 : memref<16384xi32, #tpu.memory_space<vmem>>) dst(%dma_wait3A_43 : memref<16384xi32, #tpu.memory_space<hbm>>)
      tpu.yield
    }) : () -> ()
    return
  }
}

#map = affine_map<(d0, d1) -> (0, 0)>
#map1 = affine_map<(d0, d1) -> (0)>
module attributes {stable_mosaic.version = 14 : i64} {
  func.func @_hist_pass2_body(%arg0: i32, %arg1: i32, %arg2: memref<4096x4096xf32, #tpu.memory_space<hbm>>, %arg3: memref<16xi32, #tpu.memory_space<hbm>>, %arg4: memref<32x65536xi32, #tpu.memory_space<hbm>>, %arg5: memref<4x4096xf32, #tpu.memory_space<vmem>>, %arg6: memref<4x4096xf32, #tpu.memory_space<vmem>>, %arg7: memref<65536xi32, #tpu.memory_space<vmem>>, %arg8: memref<16xi32, #tpu.memory_space<vmem>>, %arg9: memref<!tpu.dma_semaphore, #tpu.memory_space<semaphore_mem>>, %arg10: memref<!tpu.dma_semaphore, #tpu.memory_space<semaphore_mem>>) attributes {dimension_semantics = [#tpu.dimension_semantics<core_parallel>, #tpu.dimension_semantics<subcore_parallel>], iteration_bounds = array<i64: 2, 16>, scalar_prefetch = 0 : i64, scratch_operands = 6 : i64, tpu.core_type = #tpu.core_type<sc_vector_subcore>, window_params = [{transform_indices = #map}, {transform_indices = #map1}, {transform_indices = #map}]} {
    %mul3A = arith.constant 2 : i32
    %mul3A_0 = arith.muli %arg1, %mul3A : i32
    %add3A = arith.addi %mul3A_0, %arg0 : i32
    %mul3A_1 = arith.constant 128 : i32
    %mul3A_2 = arith.muli %add3A, %mul3A_1 : i32
    %broadcast_in_dim3A = arith.constant 0 : i32
    %broadcast_in_dim3A_3 = vector.broadcast %broadcast_in_dim3A : i32 to vector<16xi32>
    %scan3A = arith.constant 0 : i32
    %scan3A_4 = arith.constant 0 : i32
    %scan3A_5 = arith.constant 256 : i32
    %scan3A_6 = arith.addi %scan3A_4, %scan3A_5 : i32
    %scan3A_7 = arith.constant 1 : i32
    %scan3A_8 = scf.for %scan3A_33 = %scan3A_4 to %scan3A_6 step %scan3A_7 iter_args(%scan3A_34 = %scan3A) -> (i32)  : i32 {
      %mul3A_35 = arith.constant 16 : i32
      %mul3A_36 = arith.muli %scan3A_33, %mul3A_35 : i32
      %add3A_37 = arith.constant 0 : i32
      %add3A_38 = arith.addi %mul3A_36, %add3A_37 : i32
      %mul3A_39 = arith.constant 16 : i32
      %mul3A_40 = arith.muli %add3A_38, %mul3A_39 : i32
      %swap3A = arith.index_cast %mul3A_40 : i32 to index
      %swap3A_41 = tpu.vector_load %arg7[%swap3A] {strides = array<i32>} : memref<65536xi32, #tpu.memory_space<vmem>>, vector<16xi32>,
      tpu.vector_store %arg7[%swap3A], %broadcast_in_dim3A_3 {strides = array<i32>} : memref<65536xi32, #tpu.memory_space<vmem>>, vector<16xi32>,
      %mul3A_42 = arith.constant 16 : i32
      %mul3A_43 = arith.muli %scan3A_33, %mul3A_42 : i32
      %add3A_44 = arith.constant 1 : i32
      %add3A_45 = arith.addi %mul3A_43, %add3A_44 : i32
      %mul3A_46 = arith.constant 16 : i32
      %mul3A_47 = arith.muli %add3A_45, %mul3A_46 : i32
      %swap3A_48 = arith.index_cast %mul3A_47 : i32 to index
      %swap3A_49 = tpu.vector_load %arg7[%swap3A_48] {strides = array<i32>} : memref<65536xi32, #tpu.memory_space<vmem>>, vector<16xi32>,
      tpu.vector_store %arg7[%swap3A_48], %broadcast_in_dim3A_3 {strides = array<i32>} : memref<65536xi32, #tpu.memory_space<vmem>>, vector<16xi32>,
      %mul3A_50 = arith.constant 16 : i32
      %mul3A_51 = arith.muli %scan3A_33, %mul3A_50 : i32
      %add3A_52 = arith.constant 2 : i32
      %add3A_53 = arith.addi %mul3A_51, %add3A_52 : i32
      %mul3A_54 = arith.constant 16 : i32
      %mul3A_55 = arith.muli %add3A_53, %mul3A_54 : i32
      %swap3A_56 = arith.index_cast %mul3A_55 : i32 to index
      %swap3A_57 = tpu.vector_load %arg7[%swap3A_56] {strides = array<i32>} : memref<65536xi32, #tpu.memory_space<vmem>>, vector<16xi32>,
      tpu.vector_store %arg7[%swap3A_56], %broadcast_in_dim3A_3 {strides = array<i32>} : memref<65536xi32, #tpu.memory_space<vmem>>, vector<16xi32>,
      %mul3A_58 = arith.constant 16 : i32
      %mul3A_59 = arith.muli %scan3A_33, %mul3A_58 : i32
      %add3A_60 = arith.constant 3 : i32
      %add3A_61 = arith.addi %mul3A_59, %add3A_60 : i32
      %mul3A_62 = arith.constant 16 : i32
      %mul3A_63 = arith.muli %add3A_61, %mul3A_62 : i32
      %swap3A_64 = arith.index_cast %mul3A_63 : i32 to index
      %swap3A_65 = tpu.vector_load %arg7[%swap3A_64] {strides = array<i32>} : memref<65536xi32, #tpu.memory_space<vmem>>, vector<16xi32>,
      tpu.vector_store %arg7[%swap3A_64], %broadcast_in_dim3A_3 {strides = array<i32>} : memref<65536xi32, #tpu.memory_space<vmem>>, vector<16xi32>,
      %mul3A_66 = arith.constant 16 : i32
      %mul3A_67 = arith.muli %scan3A_33, %mul3A_66 : i32
      %add3A_68 = arith.constant 4 : i32
      %add3A_69 = arith.addi %mul3A_67, %add3A_68 : i32
      %mul3A_70 = arith.constant 16 : i32
      %mul3A_71 = arith.muli %add3A_69, %mul3A_70 : i32
      %swap3A_72 = arith.index_cast %mul3A_71 : i32 to index
      %swap3A_73 = tpu.vector_load %arg7[%swap3A_72] {strides = array<i32>} : memref<65536xi32, #tpu.memory_space<vmem>>, vector<16xi32>,
      tpu.vector_store %arg7[%swap3A_72], %broadcast_in_dim3A_3 {strides = array<i32>} : memref<65536xi32, #tpu.memory_space<vmem>>, vector<16xi32>,
      %mul3A_74 = arith.constant 16 : i32
      %mul3A_75 = arith.muli %scan3A_33, %mul3A_74 : i32
      %add3A_76 = arith.constant 5 : i32
      %add3A_77 = arith.addi %mul3A_75, %add3A_76 : i32
      %mul3A_78 = arith.constant 16 : i32
      %mul3A_79 = arith.muli %add3A_77, %mul3A_78 : i32
      %swap3A_80 = arith.index_cast %mul3A_79 : i32 to index
      %swap3A_81 = tpu.vector_load %arg7[%swap3A_80] {strides = array<i32>} : memref<65536xi32, #tpu.memory_space<vmem>>, vector<16xi32>,
      tpu.vector_store %arg7[%swap3A_80], %broadcast_in_dim3A_3 {strides = array<i32>} : memref<65536xi32, #tpu.memory_space<vmem>>, vector<16xi32>,
      %mul3A_82 = arith.constant 16 : i32
      %mul3A_83 = arith.muli %scan3A_33, %mul3A_82 : i32
      %add3A_84 = arith.constant 6 : i32
      %add3A_85 = arith.addi %mul3A_83, %add3A_84 : i32
      %mul3A_86 = arith.constant 16 : i32
      %mul3A_87 = arith.muli %add3A_85, %mul3A_86 : i32
      %swap3A_88 = arith.index_cast %mul3A_87 : i32 to index
      %swap3A_89 = tpu.vector_load %arg7[%swap3A_88] {strides = array<i32>} : memref<65536xi32, #tpu.memory_space<vmem>>, vector<16xi32>,
      tpu.vector_store %arg7[%swap3A_88], %broadcast_in_dim3A_3 {strides = array<i32>} : memref<65536xi32, #tpu.memory_space<vmem>>, vector<16xi32>,
      %mul3A_90 = arith.constant 16 : i32
      %mul3A_91 = arith.muli %scan3A_33, %mul3A_90 : i32
      %add3A_92 = arith.constant 7 : i32
      %add3A_93 = arith.addi %mul3A_91, %add3A_92 : i32
      %mul3A_94 = arith.constant 16 : i32
      %mul3A_95 = arith.muli %add3A_93, %mul3A_94 : i32
      %swap3A_96 = arith.index_cast %mul3A_95 : i32 to index
      %swap3A_97 = tpu.vector_load %arg7[%swap3A_96] {strides = array<i32>} : memref<65536xi32, #tpu.memory_space<vmem>>, vector<16xi32>,
      tpu.vector_store %arg7[%swap3A_96], %broadcast_in_dim3A_3 {strides = array<i32>} : memref<65536xi32, #tpu.memory_space<vmem>>, vector<16xi32>,
      %mul3A_98 = arith.constant 16 : i32
      %mul3A_99 = arith.muli %scan3A_33, %mul3A_98 : i32
      %add3A_100 = arith.constant 8 : i32
      %add3A_101 = arith.addi %mul3A_99, %add3A_100 : i32
      %mul3A_102 = arith.constant 16 : i32
      %mul3A_103 = arith.muli %add3A_101, %mul3A_102 : i32
      %swap3A_104 = arith.index_cast %mul3A_103 : i32 to index
      %swap3A_105 = tpu.vector_load %arg7[%swap3A_104] {strides = array<i32>} : memref<65536xi32, #tpu.memory_space<vmem>>, vector<16xi32>,
      tpu.vector_store %arg7[%swap3A_104], %broadcast_in_dim3A_3 {strides = array<i32>} : memref<65536xi32, #tpu.memory_space<vmem>>, vector<16xi32>,
      %mul3A_106 = arith.constant 16 : i32
      %mul3A_107 = arith.muli %scan3A_33, %mul3A_106 : i32
      %add3A_108 = arith.constant 9 : i32
      %add3A_109 = arith.addi %mul3A_107, %add3A_108 : i32
      %mul3A_110 = arith.constant 16 : i32
      %mul3A_111 = arith.muli %add3A_109, %mul3A_110 : i32
      %swap3A_112 = arith.index_cast %mul3A_111 : i32 to index
      %swap3A_113 = tpu.vector_load %arg7[%swap3A_112] {strides = array<i32>} : memref<65536xi32, #tpu.memory_space<vmem>>, vector<16xi32>,
      tpu.vector_store %arg7[%swap3A_112], %broadcast_in_dim3A_3 {strides = array<i32>} : memref<65536xi32, #tpu.memory_space<vmem>>, vector<16xi32>,
      %mul3A_114 = arith.constant 16 : i32
      %mul3A_115 = arith.muli %scan3A_33, %mul3A_114 : i32
      %add3A_116 = arith.constant 10 : i32
      %add3A_117 = arith.addi %mul3A_115, %add3A_116 : i32
      %mul3A_118 = arith.constant 16 : i32
      %mul3A_119 = arith.muli %add3A_117, %mul3A_118 : i32
      %swap3A_120 = arith.index_cast %mul3A_119 : i32 to index
      %swap3A_121 = tpu.vector_load %arg7[%swap3A_120] {strides = array<i32>} : memref<65536xi32, #tpu.memory_space<vmem>>, vector<16xi32>,
      tpu.vector_store %arg7[%swap3A_120], %broadcast_in_dim3A_3 {strides = array<i32>} : memref<65536xi32, #tpu.memory_space<vmem>>, vector<16xi32>,
      %mul3A_122 = arith.constant 16 : i32
      %mul3A_123 = arith.muli %scan3A_33, %mul3A_122 : i32
      %add3A_124 = arith.constant 11 : i32
      %add3A_125 = arith.addi %mul3A_123, %add3A_124 : i32
      %mul3A_126 = arith.constant 16 : i32
      %mul3A_127 = arith.muli %add3A_125, %mul3A_126 : i32
      %swap3A_128 = arith.index_cast %mul3A_127 : i32 to index
      %swap3A_129 = tpu.vector_load %arg7[%swap3A_128] {strides = array<i32>} : memref<65536xi32, #tpu.memory_space<vmem>>, vector<16xi32>,
      tpu.vector_store %arg7[%swap3A_128], %broadcast_in_dim3A_3 {strides = array<i32>} : memref<65536xi32, #tpu.memory_space<vmem>>, vector<16xi32>,
      %mul3A_130 = arith.constant 16 : i32
      %mul3A_131 = arith.muli %scan3A_33, %mul3A_130 : i32
      %add3A_132 = arith.constant 12 : i32
      %add3A_133 = arith.addi %mul3A_131, %add3A_132 : i32
      %mul3A_134 = arith.constant 16 : i32
      %mul3A_135 = arith.muli %add3A_133, %mul3A_134 : i32
      %swap3A_136 = arith.index_cast %mul3A_135 : i32 to index
      %swap3A_137 = tpu.vector_load %arg7[%swap3A_136] {strides = array<i32>} : memref<65536xi32, #tpu.memory_space<vmem>>, vector<16xi32>,
      tpu.vector_store %arg7[%swap3A_136], %broadcast_in_dim3A_3 {strides = array<i32>} : memref<65536xi32, #tpu.memory_space<vmem>>, vector<16xi32>,
      %mul3A_138 = arith.constant 16 : i32
      %mul3A_139 = arith.muli %scan3A_33, %mul3A_138 : i32
      %add3A_140 = arith.constant 13 : i32
      %add3A_141 = arith.addi %mul3A_139, %add3A_140 : i32
      %mul3A_142 = arith.constant 16 : i32
      %mul3A_143 = arith.muli %add3A_141, %mul3A_142 : i32
      %swap3A_144 = arith.index_cast %mul3A_143 : i32 to index
      %swap3A_145 = tpu.vector_load %arg7[%swap3A_144] {strides = array<i32>} : memref<65536xi32, #tpu.memory_space<vmem>>, vector<16xi32>,
      tpu.vector_store %arg7[%swap3A_144], %broadcast_in_dim3A_3 {strides = array<i32>} : memref<65536xi32, #tpu.memory_space<vmem>>, vector<16xi32>,
      %mul3A_146 = arith.constant 16 : i32
      %mul3A_147 = arith.muli %scan3A_33, %mul3A_146 : i32
      %add3A_148 = arith.constant 14 : i32
      %add3A_149 = arith.addi %mul3A_147, %add3A_148 : i32
      %mul3A_150 = arith.constant 16 : i32
      %mul3A_151 = arith.muli %add3A_149, %mul3A_150 : i32
      %swap3A_152 = arith.index_cast %mul3A_151 : i32 to index
      %swap3A_153 = tpu.vector_load %arg7[%swap3A_152] {strides = array<i32>} : memref<65536xi32, #tpu.memory_space<vmem>>, vector<16xi32>,
      tpu.vector_store %arg7[%swap3A_152], %broadcast_in_dim3A_3 {strides = array<i32>} : memref<65536xi32, #tpu.memory_space<vmem>>, vector<16xi32>,
      %mul3A_154 = arith.constant 16 : i32
      %mul3A_155 = arith.muli %scan3A_33, %mul3A_154 : i32
      %add3A_156 = arith.constant 15 : i32
      %add3A_157 = arith.addi %mul3A_155, %add3A_156 : i32
      %mul3A_158 = arith.constant 16 : i32
      %mul3A_159 = arith.muli %add3A_157, %mul3A_158 : i32
      %swap3A_160 = arith.index_cast %mul3A_159 : i32 to index
      %swap3A_161 = tpu.vector_load %arg7[%swap3A_160] {strides = array<i32>} : memref<65536xi32, #tpu.memory_space<vmem>>, vector<16xi32>,
      tpu.vector_store %arg7[%swap3A_160], %broadcast_in_dim3A_3 {strides = array<i32>} : memref<65536xi32, #tpu.memory_space<vmem>>, vector<16xi32>,
      %scan3A_162 = arith.constant 0 : i32
      scf.yield %scan3A_162 : i32
    }
    %scan3A_9 = arith.constant 256 : i32
    "tpu.region"() ({
      %run_scoped3A = tpu.sem_alloc : memref<!tpu.dma_semaphore, #tpu.memory_space<semaphore_mem>>
      tpu.enqueue_dma source(%arg3 : memref<16xi32, #tpu.memory_space<hbm>>) target(%arg8 : memref<16xi32, #tpu.memory_space<vmem>>) target_semaphore(%run_scoped3A : memref<!tpu.dma_semaphore, #tpu.memory_space<semaphore_mem>>)
      tpu.wait_dma2 semaphore(%run_scoped3A : memref<!tpu.dma_semaphore, #tpu.memory_space<semaphore_mem>>) src(%arg3 : memref<16xi32, #tpu.memory_space<hbm>>) dst(%arg8 : memref<16xi32, #tpu.memory_space<vmem>>)
      tpu.yield
    }) : () -> ()
    %get3A = arith.constant 0 : index
    %get3A_10 = tpu.vector_load %arg8[%get3A] {strides = array<i32>} : memref<16xi32, #tpu.memory_space<vmem>>, vector<16xi32>,
    %broadcast_in_dim3A_11 = arith.constant 1 : i32
    %broadcast_in_dim3A_12 = vector.broadcast %broadcast_in_dim3A_11 : i32 to vector<16xi32>
    %min3A = arith.constant 0 : i32
    %min3A_13 = arith.constant 31 : i32
    %min3A_14 = arith.minsi %min3A, %min3A_13 : i32
    %mul3A_15 = arith.constant 4 : i32
    %mul3A_16 = arith.muli %min3A_14, %mul3A_15 : i32
    %add3A_17 = arith.addi %mul3A_2, %mul3A_16 : i32
    %dma_start3A = arith.constant 0 : i32
    %dma_start3A_18 = tpu.memref_slice %arg2[%add3A_17, %dma_start3A] : memref<4096x4096xf32, #tpu.memory_space<hbm>> -> memref<4x4096xf32, #tpu.memory_space<hbm>>
    %dma_start3A_19 = arith.constant 0 : i32
    %dma_start3A_20 = tpu.memref_slice %arg2[%add3A_17, %dma_start3A_19] : memref<4096x4096xf32, #tpu.memory_space<hbm>> -> memref<4x4096xf32, #tpu.memory_space<hbm>>
    tpu.enqueue_dma source(%dma_start3A_20 : memref<4x4096xf32, #tpu.memory_space<hbm>>) target(%arg5 : memref<4x4096xf32, #tpu.memory_space<vmem>>) target_semaphore(%arg9 : memref<!tpu.dma_semaphore, #tpu.memory_space<semaphore_mem>>)
    %scan3A_21 = arith.constant 0 : i32
    %scan3A_22 = arith.constant 0 : i32
    %scan3A_23 = arith.constant 16 : i32
    %scan3A_24 = arith.addi %scan3A_22, %scan3A_23 : i32
    %scan3A_25 = arith.constant 1 : i32
    %scan3A_26 = scf.for %scan3A_33 = %scan3A_22 to %scan3A_24 step %scan3A_25 iter_args(%scan3A_34 = %scan3A_21) -> (i32)  : i32 {
      %mul3A_35 = arith.constant 2 : i32
      %mul3A_36 = arith.muli %mul3A_35, %scan3A_33 : i32
      %add3A_37 = arith.constant 1 : i32
      %add3A_38 = arith.addi %mul3A_36, %add3A_37 : i32
      %min3A_39 = arith.constant 31 : i32
      %min3A_40 = arith.minsi %add3A_38, %min3A_39 : i32
      %mul3A_41 = arith.constant 4 : i32
      %mul3A_42 = arith.muli %min3A_40, %mul3A_41 : i32
      %add3A_43 = arith.addi %mul3A_2, %mul3A_42 : i32
      %dma_start3A_44 = arith.constant 0 : i32
      %dma_start3A_45 = tpu.memref_slice %arg2[%add3A_43, %dma_start3A_44] : memref<4096x4096xf32, #tpu.memory_space<hbm>> -> memref<4x4096xf32, #tpu.memory_space<hbm>>
      %dma_start3A_46 = arith.constant 0 : i32
      %dma_start3A_47 = tpu.memref_slice %arg2[%add3A_43, %dma_start3A_46] : memref<4096x4096xf32, #tpu.memory_space<hbm>> -> memref<4x4096xf32, #tpu.memory_space<hbm>>
      tpu.enqueue_dma source(%dma_start3A_47 : memref<4x4096xf32, #tpu.memory_space<hbm>>) target(%arg6 : memref<4x4096xf32, #tpu.memory_space<vmem>>) target_semaphore(%arg10 : memref<!tpu.dma_semaphore, #tpu.memory_space<semaphore_mem>>)
      %dma_wait3A_48 = arith.constant 0 : i32
      %dma_wait3A_49 = arith.constant 0 : i32
      %dma_wait3A_50 = tpu.memref_slice %arg2[%dma_wait3A_48, %dma_wait3A_49] : memref<4096x4096xf32, #tpu.memory_space<hbm>> -> memref<4x4096xf32, #tpu.memory_space<hbm>>
      %dma_wait3A_51 = arith.constant 0 : i32
      %dma_wait3A_52 = arith.constant 0 : i32
      %dma_wait3A_53 = tpu.memref_slice %arg2[%dma_wait3A_51, %dma_wait3A_52] : memref<4096x4096xf32, #tpu.memory_space<hbm>> -> memref<4x4096xf32, #tpu.memory_space<hbm>>
      tpu.wait_dma2 semaphore(%arg9 : memref<!tpu.dma_semaphore, #tpu.memory_space<semaphore_mem>>) src(%dma_wait3A_53 : memref<4x4096xf32, #tpu.memory_space<hbm>>) dst(%arg5 : memref<4x4096xf32, #tpu.memory_space<vmem>>)
      %parallel_loop3A = arith.constant 0 : i32
      %parallel_loop3A_54 = arith.constant 1024 : i32
      %parallel_loop3A_55 = arith.constant 1 : i32
      scf.for %parallel_loop3A_79 = %parallel_loop3A to %parallel_loop3A_54 step %parallel_loop3A_55  : i32 {
        %parallel_loop3A_80 = arith.constant 8 : i32
        %parallel_loop3A_81 = arith.shrui %parallel_loop3A_79, %parallel_loop3A_80 : i32
        %parallel_loop3A_82 = arith.constant 255 : i32
        %parallel_loop3A_83 = arith.andi %parallel_loop3A_79, %parallel_loop3A_82 : i32
        %parallel_loop3A_84 = arith.constant 16 : i32
        %parallel_loop3A_85 = arith.muli %parallel_loop3A_83, %parallel_loop3A_84 : i32
        %parallel_loop3A_86 = arith.index_cast %parallel_loop3A_81 : i32 to index
        %parallel_loop3A_87 = arith.index_cast %parallel_loop3A_85 : i32 to index
        %parallel_loop3A_88 = tpu.vector_load %arg5[%parallel_loop3A_86, %parallel_loop3A_87] {strides = array<i32>} : memref<4x4096xf32, #tpu.memory_space<vmem>>, vector<16xf32>,
        %parallel_loop3A_89 = math.absf %parallel_loop3A_88 : vector<16xf32>
        %parallel_loop3A_90 = vector.bitcast %parallel_loop3A_89 : vector<16xf32> to vector<16xi32>
        %parallel_loop3A_91 = arith.constant 16 : i32
        %parallel_loop3A_92 = vector.broadcast %parallel_loop3A_91 : i32 to vector<16xi32>
        %parallel_loop3A_93 = arith.shrui %parallel_loop3A_90, %parallel_loop3A_92 : vector<16xi32>
        %parallel_loop3A_94 = arith.constant 65535 : i32
        %parallel_loop3A_95 = vector.broadcast %parallel_loop3A_94 : i32 to vector<16xi32>
        %parallel_loop3A_96 = arith.andi %parallel_loop3A_90, %parallel_loop3A_95 : vector<16xi32>
        %parallel_loop3A_97 = arith.cmpi eq, %parallel_loop3A_93, %get3A_10 : vector<16xi32>
        tpu.vector_store_idx %arg7[%parallel_loop3A_96], %broadcast_in_dim3A_12 masked %parallel_loop3A_97 {add = true} : memref<65536xi32, #tpu.memory_space<vmem>>[vector<16xi32>], vector<16xi32>, vector<16xi1>
      } {sc.loop_unroll_factor = 16 : i64, sc.parallel_access}
      %mul3A_56 = arith.constant 2 : i32
      %mul3A_57 = arith.muli %mul3A_56, %scan3A_33 : i32
      %add3A_58 = arith.constant 2 : i32
      %add3A_59 = arith.addi %mul3A_57, %add3A_58 : i32
      %min3A_60 = arith.constant 31 : i32
      %min3A_61 = arith.minsi %add3A_59, %min3A_60 : i32
      %mul3A_62 = arith.constant 4 : i32
      %mul3A_63 = arith.muli %min3A_61, %mul3A_62 : i32
      %add3A_64 = arith.addi %mul3A_2, %mul3A_63 : i32
      %dma_start3A_65 = arith.constant 0 : i32
      %dma_start3A_66 = tpu.memref_slice %arg2[%add3A_64, %dma_start3A_65] : memref<4096x4096xf32, #tpu.memory_space<hbm>> -> memref<4x4096xf32, #tpu.memory_space<hbm>>
      %dma_start3A_67 = arith.constant 0 : i32
      %dma_start3A_68 = tpu.memref_slice %arg2[%add3A_64, %dma_start3A_67] : memref<4096x4096xf32, #tpu.memory_space<hbm>> -> memref<4x4096xf32, #tpu.memory_space<hbm>>
      tpu.enqueue_dma source(%dma_start3A_68 : memref<4x4096xf32, #tpu.memory_space<hbm>>) target(%arg5 : memref<4x4096xf32, #tpu.memory_space<vmem>>) target_semaphore(%arg9 : memref<!tpu.dma_semaphore, #tpu.memory_space<semaphore_mem>>)
      %dma_wait3A_69 = arith.constant 0 : i32
      %dma_wait3A_70 = arith.constant 0 : i32
      %dma_wait3A_71 = tpu.memref_slice %arg2[%dma_wait3A_69, %dma_wait3A_70] : memref<4096x4096xf32, #tpu.memory_space<hbm>> -> memref<4x4096xf32, #tpu.memory_space<hbm>>
      %dma_wait3A_72 = arith.constant 0 : i32
      %dma_wait3A_73 = arith.constant 0 : i32
      %dma_wait3A_74 = tpu.memref_slice %arg2[%dma_wait3A_72, %dma_wait3A_73] : memref<4096x4096xf32, #tpu.memory_space<hbm>> -> memref<4x4096xf32, #tpu.memory_space<hbm>>
      tpu.wait_dma2 semaphore(%arg10 : memref<!tpu.dma_semaphore, #tpu.memory_space<semaphore_mem>>) src(%dma_wait3A_74 : memref<4x4096xf32, #tpu.memory_space<hbm>>) dst(%arg6 : memref<4x4096xf32, #tpu.memory_space<vmem>>)
      %parallel_loop3A_75 = arith.constant 0 : i32
      %parallel_loop3A_76 = arith.constant 1024 : i32
      %parallel_loop3A_77 = arith.constant 1 : i32
      scf.for %parallel_loop3A_79 = %parallel_loop3A_75 to %parallel_loop3A_76 step %parallel_loop3A_77  : i32 {
        %parallel_loop3A_80 = arith.constant 8 : i32
        %parallel_loop3A_81 = arith.shrui %parallel_loop3A_79, %parallel_loop3A_80 : i32
        %parallel_loop3A_82 = arith.constant 255 : i32
        %parallel_loop3A_83 = arith.andi %parallel_loop3A_79, %parallel_loop3A_82 : i32
        %parallel_loop3A_84 = arith.constant 16 : i32
        %parallel_loop3A_85 = arith.muli %parallel_loop3A_83, %parallel_loop3A_84 : i32
        %parallel_loop3A_86 = arith.index_cast %parallel_loop3A_81 : i32 to index
        %parallel_loop3A_87 = arith.index_cast %parallel_loop3A_85 : i32 to index
        %parallel_loop3A_88 = tpu.vector_load %arg6[%parallel_loop3A_86, %parallel_loop3A_87] {strides = array<i32>} : memref<4x4096xf32, #tpu.memory_space<vmem>>, vector<16xf32>,
        %parallel_loop3A_89 = math.absf %parallel_loop3A_88 : vector<16xf32>
        %parallel_loop3A_90 = vector.bitcast %parallel_loop3A_89 : vector<16xf32> to vector<16xi32>
        %parallel_loop3A_91 = arith.constant 16 : i32
        %parallel_loop3A_92 = vector.broadcast %parallel_loop3A_91 : i32 to vector<16xi32>
        %parallel_loop3A_93 = arith.shrui %parallel_loop3A_90, %parallel_loop3A_92 : vector<16xi32>
        %parallel_loop3A_94 = arith.constant 65535 : i32
        %parallel_loop3A_95 = vector.broadcast %parallel_loop3A_94 : i32 to vector<16xi32>
        %parallel_loop3A_96 = arith.andi %parallel_loop3A_90, %parallel_loop3A_95 : vector<16xi32>
        %parallel_loop3A_97 = arith.cmpi eq, %parallel_loop3A_93, %get3A_10 : vector<16xi32>
        tpu.vector_store_idx %arg7[%parallel_loop3A_96], %broadcast_in_dim3A_12 masked %parallel_loop3A_97 {add = true} : memref<65536xi32, #tpu.memory_space<vmem>>[vector<16xi32>], vector<16xi32>, vector<16xi1>
      } {sc.loop_unroll_factor = 16 : i64, sc.parallel_access}
      %scan3A_78 = arith.constant 0 : i32
      scf.yield %scan3A_78 : i32
    }
    %scan3A_27 = arith.constant 16 : i32
    %dma_wait3A = arith.constant 0 : i32
    %dma_wait3A_28 = arith.constant 0 : i32
    %dma_wait3A_29 = tpu.memref_slice %arg2[%dma_wait3A, %dma_wait3A_28] : memref<4096x4096xf32, #tpu.memory_space<hbm>> -> memref<4x4096xf32, #tpu.memory_space<hbm>>
    %dma_wait3A_30 = arith.constant 0 : i32
    %dma_wait3A_31 = arith.constant 0 : i32
    %dma_wait3A_32 = tpu.memref_slice %arg2[%dma_wait3A_30, %dma_wait3A_31] : memref<4096x4096xf32, #tpu.memory_space<hbm>> -> memref<4x4096xf32, #tpu.memory_space<hbm>>
    tpu.wait_dma2 semaphore(%arg9 : memref<!tpu.dma_semaphore, #tpu.memory_space<semaphore_mem>>) src(%dma_wait3A_32 : memref<4x4096xf32, #tpu.memory_space<hbm>>) dst(%arg5 : memref<4x4096xf32, #tpu.memory_space<vmem>>)
    "tpu.region"() ({
      %run_scoped3A = tpu.sem_alloc : memref<!tpu.dma_semaphore, #tpu.memory_space<semaphore_mem>>
      %dma_start3A_33 = arith.constant 0 : i32
      %dma_start3A_34 = tpu.memref_slice %arg4[%add3A, %dma_start3A_33] : memref<32x65536xi32, #tpu.memory_space<hbm>> -> memref<1x65536xi32, #tpu.memory_space<hbm>>
      %dma_start3A_35 = tpu.memref_squeeze %dma_start3A_34 : memref<1x65536xi32, #tpu.memory_space<hbm>> -> memref<65536xi32, #tpu.memory_space<hbm>>
      %dma_start3A_36 = arith.constant 0 : i32
      %dma_start3A_37 = tpu.memref_slice %arg4[%add3A, %dma_start3A_36] : memref<32x65536xi32, #tpu.memory_space<hbm>> -> memref<1x65536xi32, #tpu.memory_space<hbm>>
      %dma_start3A_38 = tpu.memref_squeeze %dma_start3A_37 : memref<1x65536xi32, #tpu.memory_space<hbm>> -> memref<65536xi32, #tpu.memory_space<hbm>>
      tpu.enqueue_dma source(%arg7 : memref<65536xi32, #tpu.memory_space<vmem>>) target(%dma_start3A_38 : memref<65536xi32, #tpu.memory_space<hbm>>) target_semaphore(%run_scoped3A : memref<!tpu.dma_semaphore, #tpu.memory_space<semaphore_mem>>)
      %dma_wait3A_39 = arith.constant 0 : i32
      %dma_wait3A_40 = tpu.memref_slice %arg4[%add3A, %dma_wait3A_39] : memref<32x65536xi32, #tpu.memory_space<hbm>> -> memref<1x65536xi32, #tpu.memory_space<hbm>>
      %dma_wait3A_41 = tpu.memref_squeeze %dma_wait3A_40 : memref<1x65536xi32, #tpu.memory_space<hbm>> -> memref<65536xi32, #tpu.memory_space<hbm>>
      %dma_wait3A_42 = arith.constant 0 : i32
      %dma_wait3A_43 = tpu.memref_slice %arg4[%add3A, %dma_wait3A_42] : memref<32x65536xi32, #tpu.memory_space<hbm>> -> memref<1x65536xi32, #tpu.memory_space<hbm>>
      %dma_wait3A_44 = tpu.memref_squeeze %dma_wait3A_43 : memref<1x65536xi32, #tpu.memory_space<hbm>> -> memref<65536xi32, #tpu.memory_space<hbm>>
      tpu.wait_dma2 semaphore(%run_scoped3A : memref<!tpu.dma_semaphore, #tpu.memory_space<semaphore_mem>>) src(%arg7 : memref<65536xi32, #tpu.memory_space<vmem>>) dst(%dma_wait3A_44 : memref<65536xi32, #tpu.memory_space<hbm>>)
      tpu.yield
    }) : () -> ()
    return
  }
}

module attributes {stable_mosaic.version = 14 : i64} {
  func.func @_mm_body(%arg0: i32, %arg1: i32, %arg2: memref<1x1xf32, #tpu.memory_space<smem>>, %arg3: memref<2048x4096xbf16, #tpu.memory_space<vmem>>, %arg4: memref<512x4096xf32, #tpu.memory_space<vmem>>, %arg5: memref<1x512xf32, #tpu.memory_space<vmem>>, %arg6: memref<2048x512xf32, #tpu.memory_space<vmem>>) attributes {dimension_semantics = [#tpu.dimension_semantics<parallel>, #tpu.dimension_semantics<parallel>], iteration_bounds = array<i64: 4, 8>, scalar_prefetch = 0 : i64, scratch_operands = 0 : i64, tpu.core_type = #tpu.core_type<tc>, window_params = [{transform_indices = @transform_0, window_bounds = array<i64: 1, 1>}, {transform_indices = @transform_1, window_bounds = array<i64: 2048, 4096>}, {transform_indices = @transform_2, window_bounds = array<i64: 512, 4096>}, {transform_indices = @transform_3, window_bounds = array<i64: 1, 512>}, {transform_indices = @transform_4, window_bounds = array<i64: 2048, 512>}]} {
    %get3A = arith.constant 0 : index
    %get3A_0 = arith.constant 0 : index
    %get3A_1 = vector.load %arg4[%get3A, %get3A_0] : memref<512x4096xf32, #tpu.memory_space<vmem>>, vector<512x4096xf32>
    %get3A_2 = arith.constant 0 : index
    %get3A_3 = arith.constant 0 : index
    %get3A_4 = memref.load %arg2[%get3A_2, %get3A_3] : memref<1x1xf32, #tpu.memory_space<smem>>
    %abs3A = math.absf %get3A_1 : vector<512x4096xf32>
    %ge3A = vector.broadcast %get3A_4 : f32 to vector<512x4096xf32>
    %ge3A_5 = arith.cmpf oge, %abs3A, %ge3A : vector<512x4096xf32>
    %jit3A = arith.constant 0.000000e+00 : f32
    %broadcast_in_dim3A = vector.broadcast %jit3A : f32 to vector<512x4096xf32>
    %select_n3A = arith.select %ge3A_5, %get3A_1, %broadcast_in_dim3A : vector<512x4096xi1>, vector<512x4096xf32>
    %convert_element_type3A = arith.truncf %select_n3A : vector<512x4096xf32> to vector<512x4096xbf16>
    %get3A_6 = arith.constant 0 : index
    %get3A_7 = arith.constant 0 : index
    %get3A_8 = vector.load %arg3[%get3A_6, %get3A_7] : memref<2048x4096xbf16, #tpu.memory_space<vmem>>, vector<2048x4096xbf16>
    %dot_general3A = arith.constant dense<0.000000e+00> : vector<2048x512xf32>
    %dot_general3A_9 = tpu.matmul %get3A_8, %convert_element_type3A, %dot_general3A {dimension_numbers = #tpu.dot_dimension_numbers<[1], [1], [0], [0], [0, 0, 1, 0], [], []>, transpose_lhs_hint = false} : vector<2048x4096xbf16>, vector<512x4096xbf16>, vector<2048x512xf32> -> vector<2048x512xf32>
    %get3A_10 = arith.constant 0 : index
    %get3A_11 = arith.constant 0 : index
    %get3A_12 = vector.load %arg5[%get3A_10, %get3A_11] : memref<1x512xf32, #tpu.memory_space<vmem>>, vector<1x512xf32>
    %add3A = vector.broadcast %get3A_12 : vector<1x512xf32> to vector<2048x512xf32>
    %add3A_13 = arith.addf %dot_general3A_9, %add3A : vector<2048x512xf32>
    %swap3A = arith.constant 0 : index
    %swap3A_14 = arith.constant 0 : index
    %swap3A_15 = vector.load %arg6[%swap3A, %swap3A_14] : memref<2048x512xf32, #tpu.memory_space<vmem>>, vector<2048x512xf32>
    tpu.vector_store %arg6[%swap3A, %swap3A_14], %add3A_13 {strides = array<i32>} : memref<2048x512xf32, #tpu.memory_space<vmem>>, vector<2048x512xf32>,
    return
  }
  func.func @transform_0(%arg0: i32, %arg1: i32) -> (i32, i32) {
    %c0_i32 = arith.constant 0 : i32
    %c0_i32_0 = arith.constant 0 : i32
    %c0_i32_1 = arith.constant 0 : i32
    return %c0_i32, %c0_i32_0 : i32, i32
  }
  func.func @transform_1(%arg0: i32, %arg1: i32) -> (i32, i32) {
    %c0_i32 = arith.constant 0 : i32
    %c0_i32_0 = arith.constant 0 : i32
    return %arg0, %c0_i32 : i32, i32
  }
  func.func @transform_2(%arg0: i32, %arg1: i32) -> (i32, i32) {
    %c0_i32 = arith.constant 0 : i32
    %c0_i32_0 = arith.constant 0 : i32
    return %arg1, %c0_i32 : i32, i32
  }
  func.func @transform_3(%arg0: i32, %arg1: i32) -> (i32, i32) {
    %c0_i32 = arith.constant 0 : i32
    %c0_i32_0 = arith.constant 0 : i32
    return %c0_i32, %arg1 : i32, i32
  }
  func.func @transform_4(%arg0: i32, %arg1: i32) -> (i32, i32) {
    %c0_i32 = arith.constant 0 : i32
    return %arg0, %arg1 : i32, i32
  }
}

</mosaic_0001>

<sc_bundles>
// kernel: kernel.5.cloned.1.call-start
scs
__scs_entry_jumppad:
0x0: {  	(pc) =	sbr.rel $0x88, $3  }
0x1: {  	(tag) =	ssettag $0x0;
	lr =	simm.s32 $0x1  }
0x2: {  	[smem:$0x3F9E] =	sst lr;
	_ =	strace $0xD0000000  }
0x3: {  	_ = 	snop  }
0x4: {  	_ = 	snop  }
0x5: {  	_ = 	snop  }
0x6: {  	_ = 	snop  }
0x7: {  	_ = 	snop  }
__scs_overlays_trampoline_lowered:
0x8: {  	[smem:$0x3FAD] =	sst s0  }
0x9: {  	[smem:$0x3FAE] =	sst s1  }
0xa: {  	[smem:$0x3FAF] =	sst s2  }
0xb: {  	[smem:$0x3FB0] =	sst s3  }
0xc: {  	[smem:$0x3FB1] =	sst s4  }
0xd: {  	[smem:$0x3FB2] =	sst s5  }
0xe: {  	[smem:$0x3FB3] =	sst s6  }
0xf: {  	[smem:$0x3FB4] =	sst s7  }
0x10: {  	[smem:$0x3FB5] =	sst s8  }
0x11: {  	[smem:$0x3FB6] =	sst s9;
	s0 =	simm.s32 @!p0 $0x0  }
0x12: {  	s1 =	sld [smem:$0x3F9C];
	s0 =	simm.s32 @p0 $0x1  }
0x13: {  	[smem:$0x3FB7] =	sst s0;
	s0 =	simm.s32 @!p1 $0x0  }
0x14: {  	s2 =	sld [smem:$0x3F9B];
	s0 =	simm.s32 @p1 $0x1  }
0x15: {  	[smem:$0x3FB8] =	sst s0;
	s0 =	simm.s32 @!p2 $0x0  }
0x16: {  	s3 =	sld [smem:$0x3FDB];
	s0 =	simm.s32 @p2 $0x1  }
0x17: {  	s4 =	simm.s32 $0x1BF5;
	[smem:$0x3FBA] =	sst s0  }
0x18: {  	s0 =	sld [smem:$0x3F9D];
	_ =	swait.ge [sflag:s4], $0x0  }
0x19: {  	s7 =	sld [smem:$0x3F9E]  }
0x1a: {  	s8 =	sadd.s32 $0xFFFFE003, lr  }
0x1b: {  	s9 =	sadd.s32 $0xFFFFFEF7, lr;
	s5 =	simm.s32 $0xFFFFFFFF;
	p2 =	slt.u32 s8, $0xFFFFF086  }
0x1c: {  	p1 =	slt.u32 s9, $0xF7A;
	s5 =	simm.s32 @!p2 $0x0  }
0x1d: {  	s5 =	simm.s32 @p1 $0x1;
	p0 =	seq.s32 s7, s2  }
0x1e: {  	s7 =	smul.u32 @!p0 $0xF7A, s2;
	p2 =	seq.s32 @!p0 s5, $0x0  }
0x1f: {  	s9 =	smul.u32 $0xF7A, s1;
	s8 =	simm.s32 @!p0 $0x1BF5;
	p2 =	por !p2, p0  }
0x20: {  	[sflag:s8] =	ssyncset.s32 @!p0 $0xFFFFF086;
	s6 =	sadd.s32 @!p0 s3, s7;
	s7 =	simm.s32 @!p0 $0x108  }
0x21: {  	s3 =	sadd.s32 s3, s9;
	s6 =	sadd.s32 @!p0 $0x88, s6;
	s7 =	simm.s32 @p2 $0x1082  }
0x22: {  	[simem:s7], [sflag:s8] =	dma.local @!p0 [hbm:s6], $0xF7A  }
0x23: {  	s9 =	sor.u32 $0xD0000000, s2;
	s6 =	simm.s32 $0x108;
	_ =	swait.ge @!p0 [sflag:s8], $0x0  }
0x24: {  	s3 =	sadd.s32 $0x88, s3;
	s6 =	simm.s32 @!p1 $0x1082;
	[sflag:s4] =	ssyncset.s32 $0xFFFFF086  }
0x25: {  	[simem:s6], [sflag:s4] =	dma.local [hbm:s3], $0xF7A  }
0x26: {  	[smem:$0x3F9E] =	sst s1;
	(tag) =	ssettag s2;
	_ =	strace s9  }
0x27: {  	s1 =	sld [smem:$0x3FAE]  }
0x28: {  	s2 =	sld [smem:$0x3FAF]  }
0x29: {  	s4 =	sld [smem:$0x3FB1]  }
0x2a: {  	p0 =	seq.s32 s5, $0x0;
	s5 =	sld [smem:$0x3FB2]  }
0x2b: {  	s6 =	sld [smem:$0x3FB3]  }
0x2c: {  	s7 =	sld [smem:$0x3FB4]  }
0x2d: {  	s3 =	simm.s32 $0x108;
	s8 =	sld [smem:$0x3FB5]  }
0x2e: {  	s3 =	simm.s32 @!p0 $0x1082;
	s9 =	sld [smem:$0x3FB6]  }
0x2f: {  	lr =	sadd.s32 s0, s3;
	s0 =	sld [smem:$0x3FAD]  }
0x30: {  	s3 =	sld [smem:$0x3FB0]  }
0x31: {  	[smem:$0x3FB9] =	sst s10  }
0x32: {  	s10 =	sld [smem:$0x3FB7];
	_ =	sdelay $0x3  }
0x33: {  	p0 =	seq.s32 s10, $0x1;
	s10 =	sld [smem:$0x3FB9];
	_ =	sdelay $0x3  }
0x34: {  	[smem:$0x3FB9] =	sst s10  }
0x35: {  	s10 =	sld [smem:$0x3FB8];
	_ =	sdelay $0x3  }
0x36: {  	p1 =	seq.s32 s10, $0x1;
	s10 =	sld [smem:$0x3FB9];
	_ =	sdelay $0x3  }
0x37: {  	[smem:$0x3FB9] =	sst s10  }
0x38: {  	s10 =	sld [smem:$0x3FBA]  }
0x39: {  	_ = 	snop;
	(pc) =	sbr.ind lr, $3  }
0x3a: {  	_ = 	snop  }
0x3b: {  	_ = 	snop  }
0x3c: {  	p2 =	seq.s32 s10, $0x1;
	s10 =	sld [smem:$0x3FB9]  }
0x3d: {  	_ =	shalt  }
0x3e: {  	_ =	shalt  }
0x3f: {  	_ =	shalt  }
0x40: {  	_ =	shalt  }
0x41: {  	_ =	shalt  }
0x42: {  	_ =	shalt  }
0x43: {  	_ =	shalt  }
0x44: {  	_ =	shalt  }
0x45: {  	_ =	shalt  }
0x46: {  	_ =	shalt  }
0x47: {  	_ =	shalt  }
0x48: {  	_ =	shalt  }
0x49: {  	_ =	shalt  }
0x4a: {  	_ =	shalt  }
0x4b: {  	_ =	shalt  }
0x4c: {  	_ =	shalt  }
0x4d: {  	_ =	shalt  }
0x4e: {  	_ =	shalt  }
0x4f: {  	_ =	shalt  }
0x50: {  	_ =	shalt  }
0x51: {  	_ =	shalt  }
0x52: {  	_ =	shalt  }
0x53: {  	_ =	shalt  }
0x54: {  	_ =	shalt  }
0x55: {  	_ =	shalt  }
0x56: {  	_ =	shalt  }
0x57: {  	_ =	shalt  }
0x58: {  	_ =	shalt  }
0x59: {  	_ =	shalt  }
0x5a: {  	_ =	shalt  }
0x5b: {  	_ =	shalt  }
0x5c: {  	_ =	shalt  }
0x5d: {  	_ =	shalt  }
0x5e: {  	_ =	shalt  }
0x5f: {  	_ =	shalt  }
0x60: {  	_ =	shalt  }
0x61: {  	_ =	shalt  }
0x62: {  	_ =	shalt  }
0x63: {  	_ =	shalt  }
0x64: {  	_ =	shalt  }
0x65: {  	_ =	shalt  }
0x66: {  	_ =	shalt  }
0x67: {  	_ =	shalt  }
0x68: {  	_ =	shalt  }
0x69: {  	_ =	shalt  }
0x6a: {  	_ =	shalt  }
0x6b: {  	_ =	shalt  }
0x6c: {  	_ =	shalt  }
0x6d: {  	_ =	shalt  }
0x6e: {  	_ =	shalt  }
0x6f: {  	_ =	shalt  }
0x70: {  	_ =	shalt  }
0x71: {  	_ =	shalt  }
0x72: {  	_ =	shalt  }
0x73: {  	_ =	shalt  }
0x74: {  	_ =	shalt  }
0x75: {  	_ =	shalt  }
0x76: {  	_ =	shalt  }
0x77: {  	_ =	shalt  }
0x78: {  	_ =	shalt  }
0x79: {  	_ =	shalt  }
0x7a: {  	_ =	shalt  }
0x7b: {  	_ =	shalt  }
0x7c: {  	_ =	shalt  }
0x7d: {  	_ =	shalt  }
0x7e: {  	_ =	shalt  }
0x7f: {  	_ =	shalt  }
0x80: {  	_ =	shalt  }
0x81: {  	_ =	shalt  }
0x82: {  	_ =	shalt  }
0x83: {  	_ =	shalt  }
0x84: {  	_ =	shalt  }
0x85: {  	_ =	shalt  }
0x86: {  	_ =	shalt  }
0x87: {  	_ =	shalt  }
.Lfunc_end0:
.L_simem_size_0:
called_computation_lowered:
.L_overlay_start_0:
0x88: {  	s2 =	sld [smem:$0x3FD9]  }
0x89: {  	s3 =	sld [smem:$0x3FFE];
	_ =	sdelay $0x1  }
0x8a: {  	s1 =	srdreg.scid  }
0x8b: {  	s0 =	sand.u32 $0x1, s1  }
0x8c: {  	s18 =	sshll.u32 s0, $0xA;
	s2 =	sadd.s32 s3, s2  }
0x8d: {  	s2 =	sadd.s32 s2, s18  }
0x8e: {  	[smem:$0x3FC5] =	sst s2  }
0x8f: {  	_ = 	snop  }
0x90: {  	s2 =	sld [smem:$0x3FC8]  }
0x91: {  	s19 =	sld [smem:$0x3FD0];
	(tm) =	ssettm $0x1  }
0x92: {  	s4 =	sld [smem:$0x3FFB];
	_ =	sdelay $0x3  }
0x93: {  	_ =	strace s4  }
0x94: {  	s4 =	sld [smem:$0x3FFC];
	_ =	sdelay $0x3  }
0x95: {  	_ =	strace s4  }
0x96: {  	s4 =	sld [smem:$0x3FFD];
	_ =	sdelay $0x3  }
0x97: {  	_ =	strace s4  }
0x98: {  	_ =	strace $0x8FFFFFFF  }
0x99: {  	s20 =	sld [smem:$0x3FDB];
	_ =	sdelay $0x1  }
0x9a: {  	s5 =	simm.s32 $_scs_section_size  }
0x9b: {  	s6 =	simm.s32 $_size__tile_overlayer_lowered;
	s7 =	simm.s32 $_tile_overlayer_lowered  }
0x9c: {  	s23 =	simm.s32 $0x1BFF;
	s22 =	sshll.u32 s7, $0x1;
	s4 =	sadd.s32 s5, s20  }
0x9d: {  	s8 =	simm.s32 $0x0;
	s21 =	sshll.u32 s6, $0x1;
	s6 =	sadd.s32 s22, s4  }
0x9e: {  	[timem:s8], [sflag:s23] =	dma.local [hbm:s6], s21  }
0x9f: {  	_ =	swait.ge [sflag:s23], s21  }
0xa0: {  	s5 =	ssub.s32 $0x0, s21;
	[sflag:s23] =	ssyncset.done $0x0  }
0xa1: {  	[sflag:s23] =	ssyncadd.s32 s5;
	_ =	sdelay $0x1  }
0xa2: {  	s24 =	simm.s32 $0x1B8B  }
0xa3: {  	_ =	swait.ge [sflag:s24], $0x1  }
0xa4: {  	[sflag:s24] =	ssyncset.done $0x0  }
0xa5: {  	s25 =	simm.s32 $0x1B8E;
	[sflag:s24] =	ssyncadd.s32 $0xFFFFFFFF  }
0xa6: {  	s26 =	simm.s32 $execute0_lowered;
	[smem:$0x3FD2] =	sst s25  }
0xa7: {  	s5 =	sshll.u32 s26, $0x1;
	_ =	strace $0x80000046;
	[dreg:$0x1] =	wrdreg $0xFFFFFFFF  }
0xa8: {  	s28 =	simm.s32 $_size_execute0_lowered;
	s4 =	sadd.s32 s4, s5;
	[dreg:$0x0] =	wrdreg $0x0  }
0xa9: {  	s5 =	sshll.u32 s28, $0x1;
	[dreg:$0x2] =	wrdreg s4  }
0xaa: {  	[dreg:$0x3] =	wrdreg s5  }
0xab: {  	[dreg:$0x4] =	wrdreg $0xC0  }
0xac: {  	_ =	task [dreg:s8], $0x5FFFF  }
0xad: {  	[dreg:$0x1] =	wrdreg $0xFFFFFFFF  }
0xae: {  	[dreg:$0x0] =	wrdreg $0x60  }
0xaf: {  	[dreg:$0x2] =	wrdreg s2  }
0xb0: {  	[dreg:$0x3] =	wrdreg s19  }
0xb1: {  	[dreg:$0x4] =	wrdreg $0x9  }
0xb2: {  	_ =	task.clear_ibuf [dreg:s8], $0x5FFFF;
	_ =	strace $0x90000046  }
0xb3: {  	s29 =	simm.s32 $0x9;
	_ =	strace $0x80000048  }
0xb4: {  	_ =	swait.ge [sflag:s29], $0x1  }
0xb5: {  	[sflag:s29] =	ssyncadd.s32 $0xFFFFFFFF  }
0xb6: {  	_ =	strace $0x90000048  }
0xb7: {  	_ =	sfence  }
0xb8: {  	s30 =	sld [smem:$0x0];
	_ =	sdelay $0x2  }
0xb9: {  	s31 =	sshll.u32 s1, $0xD;
	s1 =	sshrl.u32 s1, $0x2  }
0xba: {  	s3 =	sand.u32 $0x4000, s31;
	s1 =	sadd.s32 s1, s30  }
0xbb: {  	s0 =	sor.u32 s3, s0;
	s1 =	sshll.u32 s1, $0x11  }
0xbc: {  	s0 =	sor.u32 s1, s0  }
0xbd: {  	s0 =	sadd.s32 $0x8F2B, s0  }
0xbe: {  	[sflag:s0] =	ssyncadd.remote.s32 $0x1  }
0xbf: {  	_ =	sfence.sel $0xFFFF  }
0xc0: {  	[dreg:$0x0] =	wrdreg $0xFFFFFFFF;
	(pc) =	sbr.abs _section_cstart, $3  }
0xc1: {  	[dreg:$0x1] =	wrdreg $0xFFFFFFFF  }
0xc2: {  	_ =	task.clear_ibuf [dreg:s8], $0x2FFFF;
	_ =	strace $0x9FFFFFFF  }
0xc3: {  	(tm) =	ssettm $0x7FFFFFFF  }
tec
execute0_lowered:
.L_overlay_start_1:
0x0: {  	(tag) =	ssettag $0x1  }
0x1: {  	s3 =	rddreg [dreg:$0x0]  }
0x2: {  	s6 =	rddreg [dreg:$0x1]  }
0x3: {  	s0 =	rddreg [dreg:$0x2]  }
0x4: {  	s4 =	srdreg.scid;
	s1 =	stileid.u32  }
0x5: {  	s2 =	simm.s32 $0x0;
	s10 =	simm.s32 $0x10000;
	s11 =	simm.s32 $0x2  }
0x6: {  	s12 =	simm.s32 $0x80;
	s13 =	simm.s32 $0x400;
	s14 =	simm.s32 $0x3  }
0x7: {  	s4 =	sand.u32 $0x1, s4;
	s5 =	sshll.u32 s1, $0x1;
	[smem:$0x7FF] =	sst s2  }
0x8: {  	s31 =	sshll.u32 s1, $0xC;
	s7 =	ssub.s32 $0x2, s4;
	s5 =	sor.u32 s4, s5  }
0x9: {  	_ =	strace $0x80000047;
	s30 =	sshrl.u32 s7, $0x1;
	s8 =	sshll.u32 s5, $0x10  }
0xa: {  	s9 =	sshll.u32 s5, $0x4;
	s7 =	ssub.s32 s7, s30;
	s3 =	sadd.s32 s3, s8  }
0xb: {  	s8 =	sand.u32 $0xC000, s31;
	s9 =	sand.u32 $0x70, s9;
	s4 =	sadd.s32 $0x1000, s3  }
0xc: {  	s5 =	sadd.s32 $0x2000, s3;
	s6 =	sadd.s32 s6, s8;
	s7 =	smax.u32 s7, $0x1  }
0xd: {  	v0 =	vimm.s32 $0x0;
	v1 =	vimm.s32 $0x1;
	s8 =	simm.s32 $0x8000;
	s6 =	sadd.s32 s9, s6;
	s9 =	simm.s32 $0x1  }
.LBB2_1:
0xe: {  	s15 =	simm.s32 $0x0;
	s16 =	simm.s32 $0x400  }
.LBB2_2:
0xf: {  	p0 =	sne.s32 s16, $0xFC00;
	[tilespmem:s15+$0x100F0] =	vst v0  }
0x10: {  	[tilespmem:s15+$0x10000] =	vst v0  }
0x11: {  	[tilespmem:s15+$0x10010] =	vst v0  }
0x12: {  	[tilespmem:s15+$0x10020] =	vst v0  }
0x13: {  	[tilespmem:s15+$0x10030] =	vst v0  }
0x14: {  	[tilespmem:s15+$0x10040] =	vst v0  }
0x15: {  	[tilespmem:s15+$0x10050] =	vst v0  }
0x16: {  	[tilespmem:s15+$0x10060] =	vst v0  }
0x17: {  	[tilespmem:s15+$0x10070] =	vst v0  }
0x18: {  	[tilespmem:s15+$0x10080] =	vst v0  }
0x19: {  	[tilespmem:s15+$0x10090] =	vst v0  }
.Ltmp0:
0x1a: {  	[tilespmem:s15+$0x100A0] =	vst v0;
	(pc) =	sbr.rel @p0 .LBB2_2-.Ltmp0, $4  }
0x1b: {  	[tilespmem:s15+$0x100B0] =	vst v0  }
0x1c: {  	[tilespmem:s15+$0x100C0] =	vst v0  }
0x1d: {  	[tilespmem:s15+$0x100D0] =	vst v0  }
0x1e: {  	[tilespmem:s15+$0x100E0] =	vst v0;
	s15 =	sshra.s32 s16, $0x2;
	s16 =	sadd.s32 $0x400, s16  }
0x1f: {  	[tilespmem:s15+$0x100F0] =	vst v0  }
0x20: {  	[tilespmem:s15+$0x10000] =	vst v0  }
0x21: {  	[tilespmem:s15+$0x10010] =	vst v0  }
0x22: {  	[tilespmem:s15+$0x10020] =	vst v0  }
0x23: {  	[tilespmem:s15+$0x10030] =	vst v0  }
0x24: {  	[tilespmem:s15+$0x10040] =	vst v0  }
0x25: {  	[tilespmem:s15+$0x10050] =	vst v0  }
0x26: {  	[tilespmem:s15+$0x10060] =	vst v0  }
0x27: {  	[tilespmem:s15+$0x10070] =	vst v0  }
0x28: {  	[tilespmem:s15+$0x10080] =	vst v0  }
0x29: {  	[tilespmem:s15+$0x10090] =	vst v0  }
0x2a: {  	[tilespmem:s15+$0x100A0] =	vst v0  }
0x2b: {  	[tilespmem:s15+$0x100B0] =	vst v0  }
0x2c: {  	[tilespmem:s15+$0x100C0] =	vst v0  }
0x2d: {  	[tilespmem:s15+$0x100D0] =	vst v0  }
0x2e: {  	[tilespmem:s15+$0x100E0] =	vst v0;
	s15 =	simm.s32 $0x0;
	s16 =	simm.s32 $0x0  }
0x2f: {  	[tilespmem:s15], [sflag:$0x1] =	stream.linear.gather [hbm4b:s3+s15], $0x8000, $0x38;
	[tilespmem:$0x14000] =	vst v63  }
.LBB2_4:
0x30: {  	s17 =	sshll.u32 s16, $0xD  }
0x31: {  	s17 =	sadd.s32 s17, s4  }
0x32: {  	[tilespmem:s8], [sflag:$0x2] =	stream.linear.gather [hbm4b:s17+s15], $0x8000, $0x38;
	[tilespmem:$0x14000] =	vst v63  }
0x33: {  	_ =	swait.ge [sflag:s9], $0x8000  }
0x34: {  	s31 =	sand.u32 $0x7800, s15;
	s18 =	sand.u32 $0x380, s15;
	[sflag:s9] =	ssyncset.done $0x0  }
0x35: {  	s17 =	sor.u32 s18, s31;
	[sflag:s9] =	ssyncadd.s32 $0xFFFF8000  }
0x36: {  	v2 =	vld [tilespmem:s17+$0x470]  }
0x37: {  	v3 =	vld [tilespmem:s17+$0x0]  }
0x38: {  	v4 =	vld [tilespmem:s17+$0x10]  }
0x39: {  	v5 =	vld [tilespmem:s17+$0x20]  }
0x3a: {  	v6 =	vld [tilespmem:s17+$0x30]  }
0x3b: {  	v7 =	vld [tilespmem:s17+$0x40]  }
0x3c: {  	v8 =	vld [tilespmem:s17+$0x50];
	v2 =	vand.u32 $0x7FFFFFFF, v2  }
0x3d: {  	v9 =	vld [tilespmem:s17+$0x60];
	v2 =	vshrl.u32 v2, $0x10  }
0x3e: {  	v10 =	vld [tilespmem:s17+$0x70];
	v2 =	vmin.u32 v2, $0x3FFF  }
0x3f: {  	v11 =	vld [tilespmem:s17+$0x400]  }
0x40: {  	v12 =	vld [tilespmem:s17+$0x410];
	v3 =	vand.u32 $0x7FFFFFFF, v3  }
0x41: {  	v13 =	vld [tilespmem:s17+$0x420];
	v4 =	vand.u32 $0x7FFFFFFF, v4;
	v3 =	vshrl.u32 v3, $0x10  }
0x42: {  	v53 =	vld [tilespmem:s17+$0x430];
	v7 =	vand.u32 $0x7FFFFFFF, v7;
	v4 =	vshrl.u32 v4, $0x10;
	v3 =	vmin.u32 v3, $0x3FFF  }
0x43: {  	v5 =	vand.u32 $0x7FFFFFFF, v5;
	v7 =	vshrl.u32 v7, $0x10;
	[tilespmem:v2+s10+$0x0] =	vst.idx.add.s32.msk $0xffff, v1;
	v2 =	vmin.u32 v4, $0x3FFF  }
0x44: {  	v14 =	vld [tilespmem:s17+$0x440];
	v8 =	vand.u32 $0x7FFFFFFF, v8;
	v7 =	vmin.u32 v7, $0x3FFF;
	v4 =	vshrl.u32 v5, $0x10  }
0x45: {  	v15 =	vld [tilespmem:s17+$0x450];
	v9 =	vand.u32 $0x7FFFFFFF, v9;
	v8 =	vshrl.u32 v8, $0x10;
	v4 =	vmin.u32 v4, $0x3FFF  }
0x46: {  	v16 =	vld [tilespmem:s17+$0x460];
	v10 =	vand.u32 $0x7FFFFFFF, v10;
	v9 =	vshrl.u32 v9, $0x10;
	v8 =	vmin.u32 v8, $0x3FFF  }
0x47: {  	v54 =	vshrl.u32 v10, $0x10;
	v5 =	vand.u32 $0x7FFFFFFF, v6;
	[tilespmem:v3+s10+$0x0] =	vst.idx.add.s32.msk $0xffff, v1;
	v3 =	vmin.u32 v9, $0x3FFF  }
0x48: {  	v55 =	vand.u32 $0x7FFFFFFF, v11;
	v5 =	vshrl.u32 v5, $0x10;
	[tilespmem:v2+s10+$0x0] =	vst.idx.add.s32.msk $0xffff, v1;
	v2 =	vmin.u32 v54, $0x3FFF  }
0x49: {  	v59 =	vand.u32 $0x7FFFFFFF, v13;
	v56 =	vshrl.u32 v55, $0x10;
	[tilespmem:v7+s10+$0x0] =	vst.idx.add.s32.msk $0xffff, v1;
	v5 =	vmin.u32 v5, $0x3FFF  }
0x4a: {  	v62 =	vand.u32 $0x7FFFFFFF, v14;
	v60 =	vshrl.u32 v59, $0x10;
	[tilespmem:v4+s10+$0x0] =	vst.idx.add.s32.msk $0xffff, v1;
	v4 =	vmin.u32 v56, $0x3FFF  }
0x4b: {  	v63 =	vshrl.u32 v62, $0x10;
	v61 =	vmin.u32 v60, $0x3FFF;
	v6 =	vand.u32 $0x7FFFFFFF, v53;
	[tilespmem:v8+s10+$0x0] =	vst.idx.add.s32.msk $0xffff, v1  }
0x4c: {  	v57 =	vand.u32 $0x7FFFFFFF, v12;
	v8 =	vmin.u32 v63, $0x3FFF;
	v6 =	vshrl.u32 v6, $0x10;
	[tilespmem:v3+s10+$0x0] =	vst.idx.add.s32.msk $0xffff, v1  }
0x4d: {  	v58 =	vshrl.u32 v57, $0x10;
	v6 =	vmin.u32 v6, $0x3FFF;
	[tilespmem:v2+s10+$0x0] =	vst.idx.add.s32.msk $0xffff, v1;
	v2 =	vand.u32 $0x7FFFFFFF, v15  }
0x4e: {  	v3 =	vand.u32 $0x7FFFFFFF, v16;
	[tilespmem:v5+s10+$0x0] =	vst.idx.add.s32.msk $0xffff, v1;
	v5 =	vmin.u32 v58, $0x3FFF;
	v2 =	vshrl.u32 v2, $0x10  }
0x4f: {  	[tilespmem:v4+s10+$0x0] =	vst.idx.add.s32.msk $0xffff, v1;
	v4 =	vshrl.u32 v3, $0x10;
	v3 =	vmin.u32 v2, $0x3FFF  }
0x50: {  	[tilespmem:v61+s10+$0x0] =	vst.idx.add.s32.msk $0xffff, v1;
	v2 =	vmin.u32 v4, $0x3FFF  }
0x51: {  	[tilespmem:v8+s10+$0x0] =	vst.idx.add.s32.msk $0xffff, v1  }
0x52: {  	[tilespmem:v6+s10+$0x0] =	vst.idx.add.s32.msk $0xffff, v1  }
0x53: {  	s19 =	simm.s32 $0x800;
	s18 =	simm.s32 $0x8;
	s17 =	simm.s32 $0x0;
	[tilespmem:v5+s10+$0x0] =	vst.idx.add.s32.msk $0xffff, v1  }
.LBB2_5:
0x54: {  	s20 =	sand.u32 $0x7800, s19;
	s21 =	sand.u32 $0x380, s18;
	s17 =	sadd.s32 $0x10, s17;
	[tilespmem:v3+s10+$0x0] =	vst.idx.add.s32.msk $0xffff, v1  }
0x55: {  	s20 =	sor.u32 s21, s20;
	p0 =	slt.u32 s17, $0x7F0;
	[tilespmem:v2+s10+$0x0] =	vst.idx.add.s32.msk $0xffff, v1  }
0x56: {  	v2 =	vld [tilespmem:s20+$0x470]  }
0x57: {  	v3 =	vld [tilespmem:s20+$0x0]  }
0x58: {  	v4 =	vld [tilespmem:s20+$0x10]  }
0x59: {  	v5 =	vld [tilespmem:s20+$0x20]  }
0x5a: {  	v6 =	vld [tilespmem:s20+$0x30]  }
0x5b: {  	v7 =	vld [tilespmem:s20+$0x40];
	v2 =	vand.u32 $0x7FFFFFFF, v2  }
0x5c: {  	v3 =	vand.u32 $0x7FFFFFFF, v3;
	v8 =	vld [tilespmem:s20+$0x50];
	v2 =	vshrl.u32 v2, $0x10  }
0x5d: {  	v3 =	vshrl.u32 v3, $0x10;
	v4 =	vand.u32 $0x7FFFFFFF, v4;
	v9 =	vld [tilespmem:s20+$0x60];
	v2 =	vmin.u32 v2, $0x3FFF  }
0x5e: {  	v3 =	vmin.u32 v3, $0x3FFF;
	v4 =	vshrl.u32 v4, $0x10;
	v5 =	vand.u32 $0x7FFFFFFF, v5;
	v10 =	vld [tilespmem:s20+$0x70]  }
0x5f: {  	v4 =	vmin.u32 v4, $0x3FFF;
	v5 =	vshrl.u32 v5, $0x10;
	v6 =	vand.u32 $0x7FFFFFFF, v6;
	v11 =	vld [tilespmem:s20+$0x400]  }
0x60: {  	v5 =	vmin.u32 v5, $0x3FFF;
	v6 =	vshrl.u32 v6, $0x10;
	v7 =	vand.u32 $0x7FFFFFFF, v7;
	v12 =	vld [tilespmem:s20+$0x410]  }
0x61: {  	v6 =	vmin.u32 v6, $0x3FFF;
	v7 =	vshrl.u32 v7, $0x10;
	v8 =	vand.u32 $0x7FFFFFFF, v8;
	v13 =	vld [tilespmem:s20+$0x420]  }
0x62: {  	v7 =	vmin.u32 v7, $0x3FFF;
	v8 =	vshrl.u32 v8, $0x10;
	v9 =	vand.u32 $0x7FFFFFFF, v9;
	[tilespmem:v2+s10+$0x0] =	vst.idx.add.s32.msk $0xffff, v1  }
0x63: {  	v2 =	vmin.u32 v8, $0x3FFF;
	v8 =	vshrl.u32 v9, $0x10;
	v9 =	vand.u32 $0x7FFFFFFF, v10;
	v10 =	vld [tilespmem:s20+$0x430]  }
0x64: {  	v8 =	vmin.u32 v8, $0x3FFF;
	v9 =	vshrl.u32 v9, $0x10;
	v11 =	vand.u32 $0x7FFFFFFF, v11;
	v14 =	vld [tilespmem:s20+$0x440]  }
0x65: {  	v9 =	vmin.u32 v9, $0x3FFF;
	v11 =	vshrl.u32 v11, $0x10;
	v12 =	vand.u32 $0x7FFFFFFF, v12;
	v15 =	vld [tilespmem:s20+$0x450]  }
0x66: {  	v11 =	vmin.u32 v11, $0x3FFF;
	v12 =	vshrl.u32 v12, $0x10;
	v13 =	vand.u32 $0x7FFFFFFF, v13;
	v16 =	vld [tilespmem:s20+$0x460]  }
0x67: {  	[tilespmem:v3+s10+$0x0] =	vst.idx.add.s32.msk $0xffff, v1;
	v12 =	vmin.u32 v12, $0x3FFF;
	v3 =	vshrl.u32 v13, $0x10  }
0x68: {  	[tilespmem:v4+s10+$0x0] =	vst.idx.add.s32.msk $0xffff, v1;
	v4 =	vmin.u32 v3, $0x3FFF;
	v3 =	vand.u32 $0x7FFFFFFF, v10  }
0x69: {  	[tilespmem:v5+s10+$0x0] =	vst.idx.add.s32.msk $0xffff, v1;
	v3 =	vshrl.u32 v3, $0x10;
	v5 =	vand.u32 $0x7FFFFFFF, v14  }
0x6a: {  	[tilespmem:v6+s10+$0x0] =	vst.idx.add.s32.msk $0xffff, v1;
	v6 =	vmin.u32 v3, $0x3FFF;
	v3 =	vshrl.u32 v5, $0x10;
	v5 =	vand.u32 $0x7FFFFFFF, v15  }
0x6b: {  	[tilespmem:v7+s10+$0x0] =	vst.idx.add.s32.msk $0xffff, v1;
	v7 =	vmin.u32 v3, $0x3FFF;
	v3 =	vshrl.u32 v5, $0x10;
	v5 =	vand.u32 $0x7FFFFFFF, v16  }
0x6c: {  	[tilespmem:v2+s10+$0x0] =	vst.idx.add.s32.msk $0xffff, v1;
	v3 =	vmin.u32 v3, $0x3FFF;
	v2 =	vshrl.u32 v5, $0x10  }
0x6d: {  	[tilespmem:v8+s10+$0x0] =	vst.idx.add.s32.msk $0xffff, v1;
	v2 =	vmin.u32 v2, $0x3FFF  }
0x6e: {  	[tilespmem:v9+s10+$0x0] =	vst.idx.add.s32.msk $0xffff, v1  }
.Ltmp1:
0x6f: {  	[tilespmem:v11+s10+$0x0] =	vst.idx.add.s32.msk $0xffff, v1;
	(pc) =	sbr.rel @p0 .LBB2_5-.Ltmp1, $4  }
0x70: {  	[tilespmem:v12+s10+$0x0] =	vst.idx.add.s32.msk $0xffff, v1  }
0x71: {  	[tilespmem:v4+s10+$0x0] =	vst.idx.add.s32.msk $0xffff, v1  }
0x72: {  	[tilespmem:v6+s10+$0x0] =	vst.idx.add.s32.msk $0xffff, v1  }
0x73: {  	s18 =	sadd.s32 $0x8, s18;
	s19 =	sadd.s32 $0x800, s19;
	[tilespmem:v7+s10+$0x0] =	vst.idx.add.s32.msk $0xffff, v1  }
0x74: {  	_ =	sdelay $0x1  }
0x75: {  	s17 =	sshll.u32 s16, $0x1  }
0x76: {  	s17 =	smin.u32 s17, $0xD  }
0x77: {  	[tilespmem:v3+s10+$0x0] =	vst.idx.add.s32.msk $0xffff, v1;
	s17 =	sshll.u32 s17, $0xC  }
0x78: {  	[tilespmem:v2+s10+$0x0] =	vst.idx.add.s32.msk $0xffff, v1;
	s18 =	simm.s32 $0x0;
	s17 =	sadd.s32 s17, s5  }
0x79: {  	[tilespmem:s18], [sflag:$0x1] =	stream.linear.gather [hbm4b:s17+s18], $0x8000, $0x38;
	[tilespmem:$0x14000] =	vst v63  }
0x7a: {  	_ =	swait.ge [sflag:s11], $0x8000  }
0x7b: {  	s31 =	sand.u32 $0x7800, s18;
	s18 =	sand.u32 $0x380, s18;
	[sflag:s11] =	ssyncset.done $0x0  }
0x7c: {  	s17 =	sor.u32 s18, s31;
	[sflag:s11] =	ssyncadd.s32 $0xFFFF8000  }
0x7d: {  	v2 =	vld [tilespmem:s17+$0x8470]  }
0x7e: {  	v3 =	vld [tilespmem:s17+$0x8000]  }
0x7f: {  	v4 =	vld [tilespmem:s17+$0x8010]  }
0x80: {  	v5 =	vld [tilespmem:s17+$0x8020]  }
0x81: {  	v6 =	vld [tilespmem:s17+$0x8030]  }
0x82: {  	v7 =	vld [tilespmem:s17+$0x8040]  }
0x83: {  	v8 =	vld [tilespmem:s17+$0x8050];
	v2 =	vand.u32 $0x7FFFFFFF, v2  }
0x84: {  	v9 =	vld [tilespmem:s17+$0x8060];
	v2 =	vshrl.u32 v2, $0x10  }
0x85: {  	v10 =	vld [tilespmem:s17+$0x8070];
	v2 =	vmin.u32 v2, $0x3FFF  }
0x86: {  	v11 =	vld [tilespmem:s17+$0x8400]  }
0x87: {  	v12 =	vld [tilespmem:s17+$0x8410];
	v3 =	vand.u32 $0x7FFFFFFF, v3  }
0x88: {  	v13 =	vld [tilespmem:s17+$0x8420];
	v4 =	vand.u32 $0x7FFFFFFF, v4;
	v3 =	vshrl.u32 v3, $0x10  }
0x89: {  	v53 =	vld [tilespmem:s17+$0x8430];
	v7 =	vand.u32 $0x7FFFFFFF, v7;
	v4 =	vshrl.u32 v4, $0x10;
	v3 =	vmin.u32 v3, $0x3FFF  }
0x8a: {  	v5 =	vand.u32 $0x7FFFFFFF, v5;
	v7 =	vshrl.u32 v7, $0x10;
	[tilespmem:v2+s10+$0x0] =	vst.idx.add.s32.msk $0xffff, v1;
	v2 =	vmin.u32 v4, $0x3FFF  }
0x8b: {  	v14 =	vld [tilespmem:s17+$0x8440];
	v8 =	vand.u32 $0x7FFFFFFF, v8;
	v7 =	vmin.u32 v7, $0x3FFF;
	v4 =	vshrl.u32 v5, $0x10  }
0x8c: {  	v15 =	vld [tilespmem:s17+$0x8450];
	v9 =	vand.u32 $0x7FFFFFFF, v9;
	v8 =	vshrl.u32 v8, $0x10;
	v4 =	vmin.u32 v4, $0x3FFF  }
0x8d: {  	v16 =	vld [tilespmem:s17+$0x8460];
	v10 =	vand.u32 $0x7FFFFFFF, v10;
	v9 =	vshrl.u32 v9, $0x10;
	v8 =	vmin.u32 v8, $0x3FFF  }
0x8e: {  	v54 =	vshrl.u32 v10, $0x10;
	v5 =	vand.u32 $0x7FFFFFFF, v6;
	[tilespmem:v3+s10+$0x0] =	vst.idx.add.s32.msk $0xffff, v1;
	v3 =	vmin.u32 v9, $0x3FFF  }
0x8f: {  	v55 =	vand.u32 $0x7FFFFFFF, v11;
	v5 =	vshrl.u32 v5, $0x10;
	[tilespmem:v2+s10+$0x0] =	vst.idx.add.s32.msk $0xffff, v1;
	v2 =	vmin.u32 v54, $0x3FFF  }
0x90: {  	v59 =	vand.u32 $0x7FFFFFFF, v13;
	v56 =	vshrl.u32 v55, $0x10;
	[tilespmem:v7+s10+$0x0] =	vst.idx.add.s32.msk $0xffff, v1;
	v5 =	vmin.u32 v5, $0x3FFF  }
0x91: {  	v62 =	vand.u32 $0x7FFFFFFF, v14;
	v60 =	vshrl.u32 v59, $0x10;
	[tilespmem:v4+s10+$0x0] =	vst.idx.add.s32.msk $0xffff, v1;
	v4 =	vmin.u32 v56, $0x3FFF  }
0x92: {  	v63 =	vshrl.u32 v62, $0x10;
	v61 =	vmin.u32 v60, $0x3FFF;
	v6 =	vand.u32 $0x7FFFFFFF, v53;
	[tilespmem:v8+s10+$0x0] =	vst.idx.add.s32.msk $0xffff, v1  }
0x93: {  	v57 =	vand.u32 $0x7FFFFFFF, v12;
	v8 =	vmin.u32 v63, $0x3FFF;
	v6 =	vshrl.u32 v6, $0x10;
	[tilespmem:v3+s10+$0x0] =	vst.idx.add.s32.msk $0xffff, v1  }
0x94: {  	v58 =	vshrl.u32 v57, $0x10;
	v6 =	vmin.u32 v6, $0x3FFF;
	[tilespmem:v2+s10+$0x0] =	vst.idx.add.s32.msk $0xffff, v1;
	v2 =	vand.u32 $0x7FFFFFFF, v15  }
0x95: {  	v3 =	vand.u32 $0x7FFFFFFF, v16;
	[tilespmem:v5+s10+$0x0] =	vst.idx.add.s32.msk $0xffff, v1;
	v5 =	vmin.u32 v58, $0x3FFF;
	v2 =	vshrl.u32 v2, $0x10  }
0x96: {  	[tilespmem:v4+s10+$0x0] =	vst.idx.add.s32.msk $0xffff, v1;
	v4 =	vshrl.u32 v3, $0x10;
	v3 =	vmin.u32 v2, $0x3FFF  }
0x97: {  	[tilespmem:v61+s10+$0x0] =	vst.idx.add.s32.msk $0xffff, v1;
	v2 =	vmin.u32 v4, $0x3FFF  }
0x98: {  	[tilespmem:v8+s10+$0x0] =	vst.idx.add.s32.msk $0xffff, v1  }
0x99: {  	[tilespmem:v6+s10+$0x0] =	vst.idx.add.s32.msk $0xffff, v1  }
0x9a: {  	s19 =	simm.s32 $0x800;
	s18 =	simm.s32 $0x8;
	s17 =	simm.s32 $0x0;
	[tilespmem:v5+s10+$0x0] =	vst.idx.add.s32.msk $0xffff, v1  }
.LBB2_7:
0x9b: {  	s20 =	sand.u32 $0x7800, s19;
	s21 =	sand.u32 $0x380, s18;
	s17 =	sadd.s32 $0x10, s17;
	[tilespmem:v3+s10+$0x0] =	vst.idx.add.s32.msk $0xffff, v1  }
0x9c: {  	s20 =	sor.u32 s21, s20;
	p0 =	slt.u32 s17, $0x7F0;
	[tilespmem:v2+s10+$0x0] =	vst.idx.add.s32.msk $0xffff, v1  }
0x9d: {  	v2 =	vld [tilespmem:s20+$0x8470]  }
0x9e: {  	v3 =	vld [tilespmem:s20+$0x8000]  }
0x9f: {  	v4 =	vld [tilespmem:s20+$0x8010]  }
0xa0: {  	v5 =	vld [tilespmem:s20+$0x8020]  }
0xa1: {  	v6 =	vld [tilespmem:s20+$0x8030]  }
0xa2: {  	v7 =	vld [tilespmem:s20+$0x8040];
	v2 =	vand.u32 $0x7FFFFFFF, v2  }
0xa3: {  	v3 =	vand.u32 $0x7FFFFFFF, v3;
	v8 =	vld [tilespmem:s20+$0x8050];
	v2 =	vshrl.u32 v2, $0x10  }
0xa4: {  	v3 =	vshrl.u32 v3, $0x10;
	v4 =	vand.u32 $0x7FFFFFFF, v4;
	v9 =	vld [tilespmem:s20+$0x8060];
	v2 =	vmin.u32 v2, $0x3FFF  }
0xa5: {  	v3 =	vmin.u32 v3, $0x3FFF;
	v4 =	vshrl.u32 v4, $0x10;
	v5 =	vand.u32 $0x7FFFFFFF, v5;
	v10 =	vld [tilespmem:s20+$0x8070]  }
0xa6: {  	v4 =	vmin.u32 v4, $0x3FFF;
	v5 =	vshrl.u32 v5, $0x10;
	v6 =	vand.u32 $0x7FFFFFFF, v6;
	v11 =	vld [tilespmem:s20+$0x8400]  }
0xa7: {  	v5 =	vmin.u32 v5, $0x3FFF;
	v6 =	vshrl.u32 v6, $0x10;
	v7 =	vand.u32 $0x7FFFFFFF, v7;
	v12 =	vld [tilespmem:s20+$0x8410]  }
0xa8: {  	v6 =	vmin.u32 v6, $0x3FFF;
	v7 =	vshrl.u32 v7, $0x10;
	v8 =	vand.u32 $0x7FFFFFFF, v8;
	v13 =	vld [tilespmem:s20+$0x8420]  }
0xa9: {  	v7 =	vmin.u32 v7, $0x3FFF;
	v8 =	vshrl.u32 v8, $0x10;
	v9 =	vand.u32 $0x7FFFFFFF, v9;
	[tilespmem:v2+s10+$0x0] =	vst.idx.add.s32.msk $0xffff, v1  }
0xaa: {  	v2 =	vmin.u32 v8, $0x3FFF;
	v8 =	vshrl.u32 v9, $0x10;
	v9 =	vand.u32 $0x7FFFFFFF, v10;
	v10 =	vld [tilespmem:s20+$0x8430]  }
0xab: {  	v8 =	vmin.u32 v8, $0x3FFF;
	v9 =	vshrl.u32 v9, $0x10;
	v11 =	vand.u32 $0x7FFFFFFF, v11;
	v14 =	vld [tilespmem:s20+$0x8440]  }
0xac: {  	v9 =	vmin.u32 v9, $0x3FFF;
	v11 =	vshrl.u32 v11, $0x10;
	v12 =	vand.u32 $0x7FFFFFFF, v12;
	v15 =	vld [tilespmem:s20+$0x8450]  }
0xad: {  	v11 =	vmin.u32 v11, $0x3FFF;
	v12 =	vshrl.u32 v12, $0x10;
	v13 =	vand.u32 $0x7FFFFFFF, v13;
	v16 =	vld [tilespmem:s20+$0x8460]  }
0xae: {  	[tilespmem:v3+s10+$0x0] =	vst.idx.add.s32.msk $0xffff, v1;
	v12 =	vmin.u32 v12, $0x3FFF;
	v3 =	vshrl.u32 v13, $0x10  }
0xaf: {  	[tilespmem:v4+s10+$0x0] =	vst.idx.add.s32.msk $0xffff, v1;
	v4 =	vmin.u32 v3, $0x3FFF;
	v3 =	vand.u32 $0x7FFFFFFF, v10  }
0xb0: {  	[tilespmem:v5+s10+$0x0] =	vst.idx.add.s32.msk $0xffff, v1;
	v3 =	vshrl.u32 v3, $0x10;
	v5 =	vand.u32 $0x7FFFFFFF, v14  }
0xb1: {  	[tilespmem:v6+s10+$0x0] =	vst.idx.add.s32.msk $0xffff, v1;
	v6 =	vmin.u32 v3, $0x3FFF;
	v3 =	vshrl.u32 v5, $0x10;
	v5 =	vand.u32 $0x7FFFFFFF, v15  }
0xb2: {  	[tilespmem:v7+s10+$0x0] =	vst.idx.add.s32.msk $0xffff, v1;
	v7 =	vmin.u32 v3, $0x3FFF;
	v3 =	vshrl.u32 v5, $0x10;
	v5 =	vand.u32 $0x7FFFFFFF, v16  }
0xb3: {  	[tilespmem:v2+s10+$0x0] =	vst.idx.add.s32.msk $0xffff, v1;
	v3 =	vmin.u32 v3, $0x3FFF;
	v2 =	vshrl.u32 v5, $0x10  }
0xb4: {  	[tilespmem:v8+s10+$0x0] =	vst.idx.add.s32.msk $0xffff, v1;
	v2 =	vmin.u32 v2, $0x3FFF  }
0xb5: {  	[tilespmem:v9+s10+$0x0] =	vst.idx.add.s32.msk $0xffff, v1  }
.Ltmp2:
0xb6: {  	[tilespmem:v11+s10+$0x0] =	vst.idx.add.s32.msk $0xffff, v1;
	(pc) =	sbr.rel @p0 .LBB2_7-.Ltmp2, $4  }
0xb7: {  	[tilespmem:v12+s10+$0x0] =	vst.idx.add.s32.msk $0xffff, v1  }
0xb8: {  	[tilespmem:v4+s10+$0x0] =	vst.idx.add.s32.msk $0xffff, v1  }
0xb9: {  	[tilespmem:v6+s10+$0x0] =	vst.idx.add.s32.msk $0xffff, v1  }
0xba: {  	s18 =	sadd.s32 $0x8, s18;
	s19 =	sadd.s32 $0x800, s19;
	[tilespmem:v7+s10+$0x0] =	vst.idx.add.s32.msk $0xffff, v1  }
0xbb: {  	s16 =	sadd.s32 $0x1, s16  }
0xbc: {  	p0 =	sne.s32 s16, $0x8  }
.Ltmp3:
0xbd: {  	_ = 	snop;
	(pc) =	sbr.rel @p0 .LBB2_4-.Ltmp3, $3  }
0xbe: {  	_ =	sdelay $0x1  }
0xbf: {  	[tilespmem:v3+s10+$0x0] =	vst.idx.add.s32.msk $0xffff, v1  }
0xc0: {  	[tilespmem:v2+s10+$0x0] =	vst.idx.add.s32.msk $0xffff, v1  }
0xc1: {  	_ =	swait.ge [sflag:s9], $0x8000;
	s2 =	sadd.s32 $0x1, s2  }
0xc2: {  	[sflag:s9] =	ssyncset.done $0x0;
	p0 =	sne.s32 s2, s7  }
.Ltmp4:
0xc3: {  	[sflag:s9] =	ssyncadd.s32 $0xFFFF8000;
	(pc) =	sbr.rel @p0 .LBB2_1-.Ltmp4, $4  }
0xc4: {  	[hbm4b:s6+s12] =	stream.strided.scatter [tilespmem:s10], [sflag:$0x3], $0x4000, s13, s12, $0x38;
	[tilespmem:$0x14000] =	vst v63  }
0xc5: {  	_ =	swait.ge [sflag:s14], $0x4000  }
0xc6: {  	[sflag:s14] =	ssyncset.done $0x0  }
0xc7: {  	[sflag:s14] =	ssyncadd.s32 $0xFFFFC000  }
0xc8: {  	_ =	sfence.sel $0x180000  }
0xc9: {  	[bflag:$0x0] =	sbarrier.arrive $0xFFFF  }
0xca: {  	p0 =	sne.s32 s1, $0x0;
	_ =	strace $0x90000047  }
0xcb: {  	s0 =	sadd.s32 @!p0 $0x100000, s0;
	[bflag:$0x2] =	sbarrier.arrive $0xFFFF  }
0xcc: {  	[sflag:s0] =	ssyncadd.tile.s32 @!p0 $0x1;
	_ =	shalt  }
.Lfunc_end2:
_tile_overlayer_lowered:
.L_overlay_start_2:
0xcd: {  	(tag) =	ssettag $0x2  }
0xce: {  	s0 =	rddreg [dreg:$0x0];
	s2 =	stileid.u32  }
0xcf: {  	s1 =	rddreg [dreg:$0x1];
	p0 =	sne.s32 s2, $0x0  }
0xd0: {  	s3 =	rddreg [dreg:$0x2];
	[bflag:$0x3] =	sbarrier.arrive $0xFFFF;
	s2 =	simm.s32 @!p0 $0x1C03  }
0xd1: {  	[timem:s3], [sflag:s2] =	dma.local @!p0 [hbm:s0], s1  }
0xd2: {  	s0 =	simm.s32 @!p0 $0x3  }
0xd3: {  	_ =	swait.ge @!p0 [sflag:s0], s1  }
0xd4: {  	s1 =	ssub.s32 @!p0 $0x0, s1;
	[sflag:s0] =	ssyncset.done @!p0 $0x0  }
0xd5: {  	[sflag:s0] =	ssyncadd.s32 @!p0 s1  }
0xd6: {  	[bflag:$0x3] =	sbarrier.arrive $0xFFFF  }
0xd7: {  	_ =	shalt  }

// kernel: kernel.8.cloned.1.call-start
scs
__scs_entry_jumppad:
0x0: {  	(pc) =	sbr.rel $0x88, $3  }
0x1: {  	(tag) =	ssettag $0x0;
	lr =	simm.s32 $0x1  }
0x2: {  	[smem:$0x3F9E] =	sst lr;
	_ =	strace $0xD0000000  }
0x3: {  	_ = 	snop  }
0x4: {  	_ = 	snop  }
0x5: {  	_ = 	snop  }
0x6: {  	_ = 	snop  }
0x7: {  	_ = 	snop  }
__scs_overlays_trampoline_lowered:
0x8: {  	[smem:$0x3FAD] =	sst s0  }
0x9: {  	[smem:$0x3FAE] =	sst s1  }
0xa: {  	[smem:$0x3FAF] =	sst s2  }
0xb: {  	[smem:$0x3FB0] =	sst s3  }
0xc: {  	[smem:$0x3FB1] =	sst s4  }
0xd: {  	[smem:$0x3FB2] =	sst s5  }
0xe: {  	[smem:$0x3FB3] =	sst s6  }
0xf: {  	[smem:$0x3FB4] =	sst s7  }
0x10: {  	[smem:$0x3FB5] =	sst s8  }
0x11: {  	[smem:$0x3FB6] =	sst s9;
	s0 =	simm.s32 @!p0 $0x0  }
0x12: {  	s1 =	sld [smem:$0x3F9C];
	s0 =	simm.s32 @p0 $0x1  }
0x13: {  	[smem:$0x3FB7] =	sst s0;
	s0 =	simm.s32 @!p1 $0x0  }
0x14: {  	s2 =	sld [smem:$0x3F9B];
	s0 =	simm.s32 @p1 $0x1  }
0x15: {  	[smem:$0x3FB8] =	sst s0;
	s0 =	simm.s32 @!p2 $0x0  }
0x16: {  	s3 =	sld [smem:$0x3FDB];
	s0 =	simm.s32 @p2 $0x1  }
0x17: {  	s4 =	simm.s32 $0x1BF5;
	[smem:$0x3FBA] =	sst s0  }
0x18: {  	s0 =	sld [smem:$0x3F9D];
	_ =	swait.ge [sflag:s4], $0x0  }
0x19: {  	s7 =	sld [smem:$0x3F9E]  }
0x1a: {  	s8 =	sadd.s32 $0xFFFFE003, lr  }
0x1b: {  	s9 =	sadd.s32 $0xFFFFFEF7, lr;
	s5 =	simm.s32 $0xFFFFFFFF;
	p2 =	slt.u32 s8, $0xFFFFF086  }
0x1c: {  	p1 =	slt.u32 s9, $0xF7A;
	s5 =	simm.s32 @!p2 $0x0  }
0x1d: {  	s5 =	simm.s32 @p1 $0x1;
	p0 =	seq.s32 s7, s2  }
0x1e: {  	s7 =	smul.u32 @!p0 $0xF7A, s2;
	p2 =	seq.s32 @!p0 s5, $0x0  }
0x1f: {  	s9 =	smul.u32 $0xF7A, s1;
	s8 =	simm.s32 @!p0 $0x1BF5;
	p2 =	por !p2, p0  }
0x20: {  	[sflag:s8] =	ssyncset.s32 @!p0 $0xFFFFF086;
	s6 =	sadd.s32 @!p0 s3, s7;
	s7 =	simm.s32 @!p0 $0x108  }
0x21: {  	s3 =	sadd.s32 s3, s9;
	s6 =	sadd.s32 @!p0 $0x88, s6;
	s7 =	simm.s32 @p2 $0x1082  }
0x22: {  	[simem:s7], [sflag:s8] =	dma.local @!p0 [hbm:s6], $0xF7A  }
0x23: {  	s9 =	sor.u32 $0xD0000000, s2;
	s6 =	simm.s32 $0x108;
	_ =	swait.ge @!p0 [sflag:s8], $0x0  }
0x24: {  	s3 =	sadd.s32 $0x88, s3;
	s6 =	simm.s32 @!p1 $0x1082;
	[sflag:s4] =	ssyncset.s32 $0xFFFFF086  }
0x25: {  	[simem:s6], [sflag:s4] =	dma.local [hbm:s3], $0xF7A  }
0x26: {  	[smem:$0x3F9E] =	sst s1;
	(tag) =	ssettag s2;
	_ =	strace s9  }
0x27: {  	s1 =	sld [smem:$0x3FAE]  }
0x28: {  	s2 =	sld [smem:$0x3FAF]  }
0x29: {  	s4 =	sld [smem:$0x3FB1]  }
0x2a: {  	p0 =	seq.s32 s5, $0x0;
	s5 =	sld [smem:$0x3FB2]  }
0x2b: {  	s6 =	sld [smem:$0x3FB3]  }
0x2c: {  	s7 =	sld [smem:$0x3FB4]  }
0x2d: {  	s3 =	simm.s32 $0x108;
	s8 =	sld [smem:$0x3FB5]  }
0x2e: {  	s3 =	simm.s32 @!p0 $0x1082;
	s9 =	sld [smem:$0x3FB6]  }
0x2f: {  	lr =	sadd.s32 s0, s3;
	s0 =	sld [smem:$0x3FAD]  }
0x30: {  	s3 =	sld [smem:$0x3FB0]  }
0x31: {  	[smem:$0x3FB9] =	sst s10  }
0x32: {  	s10 =	sld [smem:$0x3FB7];
	_ =	sdelay $0x3  }
0x33: {  	p0 =	seq.s32 s10, $0x1;
	s10 =	sld [smem:$0x3FB9];
	_ =	sdelay $0x3  }
0x34: {  	[smem:$0x3FB9] =	sst s10  }
0x35: {  	s10 =	sld [smem:$0x3FB8];
	_ =	sdelay $0x3  }
0x36: {  	p1 =	seq.s32 s10, $0x1;
	s10 =	sld [smem:$0x3FB9];
	_ =	sdelay $0x3  }
0x37: {  	[smem:$0x3FB9] =	sst s10  }
0x38: {  	s10 =	sld [smem:$0x3FBA]  }
0x39: {  	_ = 	snop;
	(pc) =	sbr.ind lr, $3  }
0x3a: {  	_ = 	snop  }
0x3b: {  	_ = 	snop  }
0x3c: {  	p2 =	seq.s32 s10, $0x1;
	s10 =	sld [smem:$0x3FB9]  }
0x3d: {  	_ =	shalt  }
0x3e: {  	_ =	shalt  }
0x3f: {  	_ =	shalt  }
0x40: {  	_ =	shalt  }
0x41: {  	_ =	shalt  }
0x42: {  	_ =	shalt  }
0x43: {  	_ =	shalt  }
0x44: {  	_ =	shalt  }
0x45: {  	_ =	shalt  }
0x46: {  	_ =	shalt  }
0x47: {  	_ =	shalt  }
0x48: {  	_ =	shalt  }
0x49: {  	_ =	shalt  }
0x4a: {  	_ =	shalt  }
0x4b: {  	_ =	shalt  }
0x4c: {  	_ =	shalt  }
0x4d: {  	_ =	shalt  }
0x4e: {  	_ =	shalt  }
0x4f: {  	_ =	shalt  }
0x50: {  	_ =	shalt  }
0x51: {  	_ =	shalt  }
0x52: {  	_ =	shalt  }
0x53: {  	_ =	shalt  }
0x54: {  	_ =	shalt  }
0x55: {  	_ =	shalt  }
0x56: {  	_ =	shalt  }
0x57: {  	_ =	shalt  }
0x58: {  	_ =	shalt  }
0x59: {  	_ =	shalt  }
0x5a: {  	_ =	shalt  }
0x5b: {  	_ =	shalt  }
0x5c: {  	_ =	shalt  }
0x5d: {  	_ =	shalt  }
0x5e: {  	_ =	shalt  }
0x5f: {  	_ =	shalt  }
0x60: {  	_ =	shalt  }
0x61: {  	_ =	shalt  }
0x62: {  	_ =	shalt  }
0x63: {  	_ =	shalt  }
0x64: {  	_ =	shalt  }
0x65: {  	_ =	shalt  }
0x66: {  	_ =	shalt  }
0x67: {  	_ =	shalt  }
0x68: {  	_ =	shalt  }
0x69: {  	_ =	shalt  }
0x6a: {  	_ =	shalt  }
0x6b: {  	_ =	shalt  }
0x6c: {  	_ =	shalt  }
0x6d: {  	_ =	shalt  }
0x6e: {  	_ =	shalt  }
0x6f: {  	_ =	shalt  }
0x70: {  	_ =	shalt  }
0x71: {  	_ =	shalt  }
0x72: {  	_ =	shalt  }
0x73: {  	_ =	shalt  }
0x74: {  	_ =	shalt  }
0x75: {  	_ =	shalt  }
0x76: {  	_ =	shalt  }
0x77: {  	_ =	shalt  }
0x78: {  	_ =	shalt  }
0x79: {  	_ =	shalt  }
0x7a: {  	_ =	shalt  }
0x7b: {  	_ =	shalt  }
0x7c: {  	_ =	shalt  }
0x7d: {  	_ =	shalt  }
0x7e: {  	_ =	shalt  }
0x7f: {  	_ =	shalt  }
0x80: {  	_ =	shalt  }
0x81: {  	_ =	shalt  }
0x82: {  	_ =	shalt  }
0x83: {  	_ =	shalt  }
0x84: {  	_ =	shalt  }
0x85: {  	_ =	shalt  }
0x86: {  	_ =	shalt  }
0x87: {  	_ =	shalt  }
.Lfunc_end0:
.L_simem_size_0:
called_computation.1_lowered:
.L_overlay_start_0:
0x88: {  	s2 =	sld [smem:$0x3FD9]  }
0x89: {  	s3 =	sld [smem:$0x3FFE];
	_ =	sdelay $0x1  }
0x8a: {  	s1 =	srdreg.scid  }
0x8b: {  	s0 =	sand.u32 $0x1, s1  }
0x8c: {  	s17 =	sshll.u32 s0, $0xA;
	s2 =	sadd.s32 s3, s2  }
0x8d: {  	s2 =	sadd.s32 s2, s17  }
0x8e: {  	[smem:$0x3FC5] =	sst s2  }
0x8f: {  	_ = 	snop  }
0x90: {  	s2 =	sld [smem:$0x3FC8]  }
0x91: {  	s18 =	sld [smem:$0x3FD0];
	(tm) =	ssettm $0x1  }
0x92: {  	s4 =	sld [smem:$0x3FFB];
	_ =	sdelay $0x3  }
0x93: {  	_ =	strace s4  }
0x94: {  	s4 =	sld [smem:$0x3FFC];
	_ =	sdelay $0x3  }
0x95: {  	_ =	strace s4  }
0x96: {  	s4 =	sld [smem:$0x3FFD];
	_ =	sdelay $0x3  }
0x97: {  	_ =	strace s4  }
0x98: {  	_ =	strace $0x8FFFFFFF  }
0x99: {  	s19 =	sld [smem:$0x3FDB];
	_ =	sdelay $0x1  }
0x9a: {  	s5 =	simm.s32 $_scs_section_size  }
0x9b: {  	s6 =	simm.s32 $_size__tile_overlayer_lowered;
	s7 =	simm.s32 $_tile_overlayer_lowered  }
0x9c: {  	s22 =	simm.s32 $0x1BFF;
	s21 =	sshll.u32 s7, $0x1;
	s4 =	sadd.s32 s5, s19  }
0x9d: {  	s8 =	simm.s32 $0x0;
	s20 =	sshll.u32 s6, $0x1;
	s6 =	sadd.s32 s21, s4  }
0x9e: {  	[timem:s8], [sflag:s22] =	dma.local [hbm:s6], s20  }
0x9f: {  	_ =	swait.ge [sflag:s22], s20  }
0xa0: {  	s5 =	ssub.s32 $0x0, s20;
	[sflag:s22] =	ssyncset.done $0x0  }
0xa1: {  	[sflag:s22] =	ssyncadd.s32 s5;
	_ =	sdelay $0x1  }
0xa2: {  	s23 =	simm.s32 $0x1B8B  }
0xa3: {  	_ =	swait.ge [sflag:s23], $0x1  }
0xa4: {  	[sflag:s23] =	ssyncset.done $0x0  }
0xa5: {  	s25 =	simm.s32 $0x1B8E;
	s24 =	sld [smem:$0x3FFE];
	[sflag:s23] =	ssyncadd.s32 $0xFFFFFFFF  }
0xa6: {  	s26 =	simm.s32 $execute0_lowered;
	[smem:$0x3FD2] =	sst s25  }
0xa7: {  	s6 =	sshll.u32 s26, $0x1;
	_ =	strace $0x80000049;
	[dreg:$0x1] =	wrdreg $0xFFFFFFFF  }
0xa8: {  	s28 =	simm.s32 $_size_execute0_lowered;
	s4 =	sadd.s32 s4, s6;
	[dreg:$0x0] =	wrdreg $0x0  }
0xa9: {  	s6 =	sshll.u32 s28, $0x1;
	[dreg:$0x2] =	wrdreg s4  }
0xaa: {  	[dreg:$0x3] =	wrdreg s6  }
0xab: {  	[dreg:$0x4] =	wrdreg $0xC0  }
0xac: {  	_ =	task [dreg:s8], $0x5FFFF  }
0xad: {  	[dreg:$0x1] =	wrdreg $0xFFFFFFFF  }
0xae: {  	[dreg:$0x0] =	wrdreg $0x60  }
0xaf: {  	[dreg:$0x2] =	wrdreg s2  }
0xb0: {  	[dreg:$0x3] =	wrdreg s24  }
0xb1: {  	[dreg:$0x4] =	wrdreg s18  }
0xb2: {  	[dreg:$0x5] =	wrdreg $0x9  }
0xb3: {  	_ =	task.clear_ibuf [dreg:s8], $0x6FFFF;
	_ =	strace $0x90000049  }
0xb4: {  	s29 =	simm.s32 $0x9;
	_ =	strace $0x8000004B  }
0xb5: {  	_ =	swait.ge [sflag:s29], $0x1  }
0xb6: {  	[sflag:s29] =	ssyncadd.s32 $0xFFFFFFFF  }
0xb7: {  	_ =	strace $0x9000004B  }
0xb8: {  	_ =	sfence  }
0xb9: {  	s30 =	sld [smem:$0x0];
	_ =	sdelay $0x2  }
0xba: {  	s31 =	sshll.u32 s1, $0xD;
	s1 =	sshrl.u32 s1, $0x2  }
0xbb: {  	s3 =	sand.u32 $0x4000, s31;
	s1 =	sadd.s32 s1, s30  }
0xbc: {  	s0 =	sor.u32 s3, s0;
	s1 =	sshll.u32 s1, $0x11  }
0xbd: {  	s0 =	sor.u32 s1, s0  }
0xbe: {  	s0 =	sadd.s32 $0x8F2B, s0  }
0xbf: {  	[sflag:s0] =	ssyncadd.remote.s32 $0x1  }
0xc0: {  	_ =	sfence.sel $0xFFFF  }
0xc1: {  	[dreg:$0x0] =	wrdreg $0xFFFFFFFF;
	(pc) =	sbr.abs _section_cstart, $3  }
0xc2: {  	[dreg:$0x1] =	wrdreg $0xFFFFFFFF  }
0xc3: {  	_ =	task.clear_ibuf [dreg:s8], $0x2FFFF;
	_ =	strace $0x9FFFFFFF  }
0xc4: {  	(tm) =	ssettm $0x7FFFFFFF  }
0xc5: {  	_ =	shalt  }
tec
execute0_lowered:
.L_overlay_start_1:
0x0: {  	(tag) =	ssettag $0x1  }
0x1: {  	s1 =	rddreg [dreg:$0x0]  }
0x2: {  	s3 =	rddreg [dreg:$0x1];
	s2 =	srdreg.scid  }
0x3: {  	s0 =	stileid.u32;
	s8 =	rddreg [dreg:$0x2];
	s11 =	simm.s32 $0x3  }
0x4: {  	s12 =	simm.s32 $0x200;
	s13 =	simm.s32 $0x400;
	s14 =	simm.s32 $0x4000  }
0x5: {  	s15 =	simm.s32 $0x1;
	s16 =	simm.s32 $0x8000;
	s17 =	simm.s32 $0x2  }
0x6: {  	s18 =	simm.s32 $0x80;
	s6 =	sand.u32 $0x1, s2;
	s4 =	sshll.u32 s0, $0x1  }
0x7: {  	s2 =	rddreg [dreg:$0x3];
	s7 =	sor.u32 s6, s4;
	s4 =	simm.s32 $0x0  }
0x8: {  	s6 =	ssub.s32 $0x2, s6;
	s5 =	sshll.u32 s7, $0x10;
	s7 =	sshll.u32 s7, $0x7  }
0x9: {  	[smem:$0x7FF] =	sst s4;
	s9 =	sshrl.u32 s6, $0x1;
	s7 =	sor.u32 s7, s5  }
0xa: {  	_ =	strace $0x8000004A;
	s9 =	ssub.s32 s6, s9;
	s7 =	sand.u32 $0x180380, s7  }
0xb: {  	s6 =	sadd.s32 s1, s5;
	s9 =	smax.u32 s9, $0x1;
	s10 =	sshrl.u32 s7, $0x3  }
0xc: {  	v0 =	vimm.s32 $0x0;
	v1 =	vimm.s32 $0x1;
	s7 =	sadd.s32 $0x40, s6;
	s8 =	sadd.s32 s8, s10;
	s10 =	simm.s32 $0x18000  }
.LBB2_1:
0xd: {  	s19 =	simm.s32 $0x0;
	s20 =	simm.s32 $0x400  }
.LBB2_2:
0xe: {  	p0 =	sne.s32 s20, $0x3FC00;
	[tilespmem:s19+$0x80F0] =	vst v0  }
0xf: {  	[tilespmem:s19+$0x8000] =	vst v0  }
0x10: {  	[tilespmem:s19+$0x8010] =	vst v0  }
0x11: {  	[tilespmem:s19+$0x8020] =	vst v0  }
0x12: {  	[tilespmem:s19+$0x8030] =	vst v0  }
0x13: {  	[tilespmem:s19+$0x8040] =	vst v0  }
0x14: {  	[tilespmem:s19+$0x8050] =	vst v0  }
0x15: {  	[tilespmem:s19+$0x8060] =	vst v0  }
0x16: {  	[tilespmem:s19+$0x8070] =	vst v0  }
0x17: {  	[tilespmem:s19+$0x8080] =	vst v0  }
0x18: {  	[tilespmem:s19+$0x8090] =	vst v0  }
.Ltmp0:
0x19: {  	[tilespmem:s19+$0x80A0] =	vst v0;
	(pc) =	sbr.rel @p0 .LBB2_2-.Ltmp0, $4  }
0x1a: {  	[tilespmem:s19+$0x80B0] =	vst v0  }
0x1b: {  	[tilespmem:s19+$0x80C0] =	vst v0  }
0x1c: {  	[tilespmem:s19+$0x80D0] =	vst v0  }
0x1d: {  	[tilespmem:s19+$0x80E0] =	vst v0;
	s19 =	sshra.s32 s20, $0x2;
	s20 =	sadd.s32 $0x400, s20  }
0x1e: {  	[tilespmem:s19+$0x80F0] =	vst v0  }
0x1f: {  	[tilespmem:s19+$0x8000] =	vst v0  }
0x20: {  	[tilespmem:s19+$0x8010] =	vst v0  }
0x21: {  	[tilespmem:s19+$0x8020] =	vst v0  }
0x22: {  	[tilespmem:s19+$0x8030] =	vst v0  }
0x23: {  	[tilespmem:s19+$0x8040] =	vst v0  }
0x24: {  	[tilespmem:s19+$0x8050] =	vst v0  }
0x25: {  	[tilespmem:s19+$0x8060] =	vst v0  }
0x26: {  	[tilespmem:s19+$0x8070] =	vst v0  }
0x27: {  	[tilespmem:s19+$0x8080] =	vst v0  }
0x28: {  	[tilespmem:s19+$0x8090] =	vst v0  }
0x29: {  	[tilespmem:s19+$0x80A0] =	vst v0  }
0x2a: {  	[tilespmem:s19+$0x80B0] =	vst v0  }
0x2b: {  	[tilespmem:s19+$0x80C0] =	vst v0  }
0x2c: {  	[tilespmem:s19+$0x80D0] =	vst v0  }
0x2d: {  	[tilespmem:s19+$0x80E0] =	vst v0;
	s19 =	simm.s32 $0x0  }
0x2e: {  	[tilespmem:s10], [sflag:$0x3] =	stream.linear.gather [hbm4b:s3+s19], $0x80, $0x38;
	[tilespmem:$0x18080] =	vst v63  }
0x2f: {  	_ =	swait.ge [sflag:s11], $0x80  }
0x30: {  	[sflag:s11] =	ssyncset.done $0x0  }
0x31: {  	s20 =	simm.s32 $0x0;
	[sflag:s11] =	ssyncadd.s32 $0xFFFFFF80  }
0x32: {  	v2 =	vld [tilespmem:$0x18000];
	[tilespmem:s19], [sflag:$0x1] =	stream.strided.gather [hbm4b:s6+s12], $0x4000, s13, s12, $0x38  }
.LBB2_4:
0x33: {  	s21 =	sshll.u32 s20, $0xC  }
0x34: {  	s21 =	sadd.s32 s21, s7  }
0x35: {  	[tilespmem:s14], [sflag:$0x2] =	stream.strided.gather [hbm4b:s21+s12], $0x4000, s13, s12, $0x38;
	[tilespmem:$0x18080] =	vst v63  }
0x36: {  	_ =	swait.ge [sflag:s15], $0x4000  }
0x37: {  	s31 =	sand.u32 $0x3C00, s19;
	s22 =	sand.u32 $0x180, s19;
	[sflag:s15] =	ssyncset.done $0x0  }
0x38: {  	s21 =	sor.u32 s22, s31;
	[sflag:s15] =	ssyncadd.s32 $0xFFFFC000  }
0x39: {  	v3 =	vld [tilespmem:s21+$0x270]  }
0x3a: {  	v4 =	vld [tilespmem:s21+$0x0]  }
0x3b: {  	v5 =	vld [tilespmem:s21+$0x10]  }
0x3c: {  	v6 =	vld [tilespmem:s21+$0x20]  }
0x3d: {  	v7 =	vld [tilespmem:s21+$0x30]  }
0x3e: {  	v8 =	vld [tilespmem:s21+$0x40]  }
0x3f: {  	v9 =	vld [tilespmem:s21+$0x50]  }
0x40: {  	v12 =	vld [tilespmem:s21+$0x60]  }
0x41: {  	v13 =	vld [tilespmem:s21+$0x70]  }
0x42: {  	v14 =	vld [tilespmem:s21+$0x200]  }
0x43: {  	v15 =	vld [tilespmem:s21+$0x210]  }
0x44: {  	v16 =	vld [tilespmem:s21+$0x220]  }
0x45: {  	v3 =	vand.u32 $0x7FFFFFFF, v3;
	v4 =	vand.u32 $0x7FFFFFFF, v4  }
0x46: {  	v5 =	vand.u32 $0x7FFFFFFF, v5;
	v6 =	vand.u32 $0x7FFFFFFF, v6;
	v7 =	vand.u32 $0x7FFFFFFF, v7  }
0x47: {  	v8 =	vand.u32 $0x7FFFFFFF, v8;
	v9 =	vand.u32 $0x7FFFFFFF, v9;
	v17 =	vand.u32 $0x7FFFFFFF, v12  }
0x48: {  	v13 =	vand.u32 $0x7FFFFFFF, v13;
	v14 =	vand.u32 $0x7FFFFFFF, v14;
	v15 =	vand.u32 $0x7FFFFFFF, v15  }
0x49: {  	v16 =	vand.u32 $0x7FFFFFFF, v16;
	v10 =	vshrl.u32 v3, $0x10;
	v11 =	vshrl.u32 v4, $0x10  }
0x4a: {  	v3 =	vand.u32 $0xFFFF, v3;
	v4 =	vand.u32 $0xFFFF, v4;
	v22 =	vand.u32 $0xFFFF, v6  }
0x4b: {  	v23 =	vand.u32 $0xFFFF, v7;
	vm3 =	veq.s32 v10, v2;
	v10 =	vshrl.u32 v5, $0x10  }
0x4c: {  	v24 =	vand.u32 $0xFFFF, v8;
	vm5 =	veq.s32 v10, v2;
	v10 =	vshrl.u32 v7, $0x10  }
0x4d: {  	v12 =	vld [tilespmem:s21+$0x230];
	vm4 =	veq.s32 v11, v2;
	vm7 =	veq.s32 v10, v2;
	v10 =	vshrl.u32 v9, $0x10  }
0x4e: {  	v11 =	vshrl.u32 v6, $0x10;
	vm0 =	veq.s32 v10, v2;
	v10 =	vimm.s32 $0x0  }
0x4f: {  	vm6 =	veq.s32 v11, v2;
	v11 =	vshrl.u32 v8, $0x10;
	v10 =	vsel vm0, $0xFFFFFFFF, v10  }
0x50: {  	v5 =	vand.u32 $0xFFFF, v5;
	vm1 =	veq.s32 v11, v2;
	v11 =	vshrl.u32 v17, $0x10;
	[tilespmem:$0x1FFF0] =	vst v10  }
0x51: {  	v8 =	vand.u32 $0xFFFF, v15;
	v7 =	vand.u32 $0xFFFF, v16;
	vm2 =	veq.s32 v11, v2;
	v18 =	vld [tilespmem:s21+$0x240]  }
0x52: {  	v11 =	vshrl.u32 v14, $0x10;
	v20 =	vand.u32 $0x7FFFFFFF, v12;
	v10 =	vshrl.u32 v13, $0x10;
	v19 =	vld [tilespmem:s21+$0x250]  }
0x53: {  	vm8 =	veq.s32 v11, v2;
	vm0 =	veq.s32 v10, v2;
	v10 =	vshrl.u32 v15, $0x10;
	v11 =	vld [tilespmem:s21+$0x260]  }
0x54: {  	v12 =	vand.u32 $0xFFFF, v9;
	vm10 =	veq.s32 v10, v2;
	v10 =	vshrl.u32 v16, $0x10  }
0x55: {  	v9 =	vand.u32 $0xFFFF, v14;
	[tilespmem:v4+s16+$0x0] =	vst.idx.add.s32.msk vm4, v1;
	vm11 =	veq.s32 v10, v2;
	v10 =	vshrl.u32 v20, $0x10  }
0x56: {  	vm8 =	vmmov vm8;
	[tilespmem:v22+s16+$0x0] =	vst.idx.add.s32.msk vm6, v1;
	vm9 =	vmmov vm0;
	vm12 =	veq.s32 v10, v2  }
0x57: {  	[tilespmem:v23+s16+$0x0] =	vst.idx.add.s32.msk vm7, v1;
	vm7 =	vmmov vm10;
	vm6 =	vmmov vm11;
	vm4 =	vmmov vm12  }
0x58: {  	v18 =	vand.u32 $0x7FFFFFFF, v18;
	v19 =	vand.u32 $0x7FFFFFFF, v19;
	v21 =	vand.u32 $0x7FFFFFFF, v11  }
0x59: {  	[tilespmem:v3+s16+$0x0] =	vst.idx.add.s32.msk vm3, v1;
	v11 =	vand.u32 $0xFFFF, v17;
	v10 =	vshrl.u32 v18, $0x10;
	v6 =	vshrl.u32 v21, $0x10  }
0x5a: {  	[tilespmem:v5+s16+$0x0] =	vst.idx.add.s32.msk vm5, v1;
	v5 =	vand.u32 $0xFFFF, v18;
	v4 =	vand.u32 $0xFFFF, v19;
	v3 =	vand.u32 $0xFFFF, v21  }
0x5b: {  	vm13 =	veq.s32 v10, v2;
	v10 =	vshrl.u32 v19, $0x10;
	vm15 =	veq.s32 v6, v2  }
0x5c: {  	v6 =	vand.u32 $0xFFFF, v20;
	vm14 =	veq.s32 v10, v2;
	v10 =	vand.u32 $0xFFFF, v13  }
0x5d: {  	s23 =	simm.s32 $0x400;
	s22 =	simm.s32 $0x8;
	s21 =	simm.s32 $0x0;
	[tilespmem:v24+s16+$0x0] =	vst.idx.add.s32.msk vm1, v1;
	vm5 =	vmmov vm13;
	vm10 =	vmmov vm15;
	vm3 =	vmmov vm14  }
.LBB2_5:
0x5e: {  	v13 =	vld [tilespmem:$0x1FFF0];
	_ =	sdelay $0x4  }
0x5f: {  	vm0 =	vnez.u8 v13;
	_ =	sdelay $0x1  }
0x60: {  	s24 =	sand.u32 $0x3C00, s23;
	s25 =	sand.u32 $0x180, s22  }
0x61: {  	[tilespmem:v11+s16+$0x0] =	vst.idx.add.s32.msk vm2, v1;
	s24 =	sor.u32 s25, s24  }
0x62: {  	v11 =	vld [tilespmem:s24+$0x270]  }
0x63: {  	v14 =	vld [tilespmem:s24+$0x20]  }
0x64: {  	[tilespmem:v12+s16+$0x0] =	vst.idx.add.s32.msk vm0, v1  }
0x65: {  	v12 =	vld [tilespmem:s24+$0x0]  }
0x66: {  	v15 =	vld [tilespmem:s24+$0x30]  }
0x67: {  	v16 =	vld [tilespmem:s24+$0x40]  }
0x68: {  	v20 =	vld [tilespmem:s24+$0x60]  }
0x69: {  	v21 =	vld [tilespmem:s24+$0x70]  }
0x6a: {  	v22 =	vld [tilespmem:s24+$0x200];
	v12 =	vand.u32 $0x7FFFFFFF, v12  }
0x6b: {  	v26 =	vld [tilespmem:s24+$0x250];
	v19 =	vshrl.u32 v12, $0x10  }
0x6c: {  	v48 =	vimm.s32 $0x0;
	v13 =	vld [tilespmem:s24+$0x10];
	vm1 =	veq.s32 v19, v2  }
0x6d: {  	[tilespmem:v4+s16+$0x0] =	vst.idx.add.s32.msk vm3, v1;
	v19 =	vsel vm1, $0xFFFFFFFF, v48  }
0x6e: {  	v23 =	vld [tilespmem:s24+$0x210];
	[tilespmem:$0x1FFA0] =	vst v19  }
0x6f: {  	v4 =	vld [tilespmem:$0x1FFA0]  }
0x70: {  	v50 =	vimm.s32 $0x0;
	v24 =	vld [tilespmem:s24+$0x220]  }
0x71: {  	v52 =	vimm.s32 $0x0;
	v54 =	vimm.s32 $0x0;
	v25 =	vld [tilespmem:s24+$0x230];
	v13 =	vand.u32 $0x7FFFFFFF, v13  }
0x72: {  	v56 =	vimm.s32 $0x0;
	[tilespmem:v10+s16+$0x0] =	vst.idx.add.s32.msk vm9, v1;
	v11 =	vand.u32 $0x7FFFFFFF, v11;
	v47 =	vshrl.u32 v13, $0x10  }
0x73: {  	[tilespmem:v9+s16+$0x0] =	vst.idx.add.s32.msk vm8, v1;
	v14 =	vand.u32 $0x7FFFFFFF, v14;
	v18 =	vshrl.u32 v11, $0x10;
	vm1 =	veq.s32 v47, v2  }
0x74: {  	[tilespmem:v8+s16+$0x0] =	vst.idx.add.s32.msk vm7, v1;
	vm0 =	veq.s32 v18, v2;
	v18 =	vsel vm1, $0xFFFFFFFF, v50;
	vm3 =	vnez.u8 v4  }
0x75: {  	v59 =	vld [tilespmem:s24+$0x240];
	v15 =	vand.u32 $0x7FFFFFFF, v15;
	v49 =	vshrl.u32 v14, $0x10;
	v9 =	vand.u32 $0xFFFF, v12;
	[tilespmem:$0x1FFB0] =	vst v18  }
0x76: {  	vm9 =	vmmov vm10;
	v51 =	vshrl.u32 v15, $0x10;
	vm1 =	veq.s32 v49, v2;
	v4 =	vld [tilespmem:$0x1FFB0]  }
0x77: {  	v16 =	vand.u32 $0x7FFFFFFF, v16;
	v17 =	vld [tilespmem:s24+$0x50];
	v19 =	vsel vm1, $0xFFFFFFFF, v52;
	vm1 =	veq.s32 v51, v2  }
0x78: {  	[tilespmem:v7+s16+$0x0] =	vst.idx.add.s32.msk vm6, v1;
	v20 =	vand.u32 $0x7FFFFFFF, v20;
	v21 =	vand.u32 $0x7FFFFFFF, v21;
	v18 =	vsel vm1, $0xFFFFFFFF, v54  }
0x79: {  	v27 =	vld [tilespmem:s24+$0x260];
	v58 =	vand.u32 $0x7FFFFFFF, v22;
	v23 =	vand.u32 $0x7FFFFFFF, v23;
	v11 =	vand.u32 $0xFFFF, v11;
	[tilespmem:$0x1FFD0] =	vst v18  }
0x7a: {  	v24 =	vand.u32 $0x7FFFFFFF, v24;
	v8 =	vand.u32 $0xFFFF, v13;
	v13 =	vand.u32 $0x7FFFFFFF, v26;
	[tilespmem:v9+s16+$0x0] =	vst.idx.add.s32.msk vm3, v1  }
0x7b: {  	v7 =	vshrl.u32 v13, $0x10;
	vm3 =	vnez.u8 v4;
	v4 =	vand.u32 $0xFFFF, v13;
	v13 =	vld [tilespmem:$0x1FFD0]  }
0x7c: {  	v25 =	vand.u32 $0x7FFFFFFF, v25;
	v62 =	vand.u32 $0x7FFFFFFF, v59;
	v17 =	vand.u32 $0x7FFFFFFF, v17  }
0x7d: {  	v53 =	vshrl.u32 v16, $0x10;
	v60 =	vshrl.u32 v58, $0x10;
	[tilespmem:v3+s16+$0x0] =	vst.idx.add.s32.msk vm9, v1;
	v55 =	vshrl.u32 v17, $0x10  }
0x7e: {  	[tilespmem:v11+s16+$0x0] =	vst.idx.add.s32.msk vm0, v1;
	v11 =	vimm.s32 $0x0;
	vm0 =	veq.s32 v55, v2;
	vm1 =	veq.s32 v53, v2  }
0x7f: {  	v11 =	vsel vm0, $0xFFFFFFFF, v11;
	vm0 =	veq.s32 v60, v2;
	[tilespmem:$0x1FFC0] =	vst v19;
	v19 =	vsel vm1, $0xFFFFFFFF, v56  }
0x80: {  	v63 =	vand.u32 $0x7FFFFFFF, v27;
	vm8 =	vmmov vm0;
	v3 =	vld [tilespmem:$0x1FFC0];
	[tilespmem:$0x1FFE0] =	vst v19;
	vm0 =	vnez.u8 v13  }
0x81: {  	v57 =	vshrl.u32 v20, $0x10;
	v61 =	vshrl.u32 v24, $0x10;
	v15 =	vand.u32 $0xFFFF, v15;
	v13 =	vld [tilespmem:$0x1FFE0]  }
0x82: {  	[tilespmem:v6+s16+$0x0] =	vst.idx.add.s32.msk vm4, v1;
	v10 =	vshrl.u32 v25, $0x10;
	v14 =	vand.u32 $0xFFFF, v14;
	v6 =	vshrl.u32 v63, $0x10  }
0x83: {  	[tilespmem:v5+s16+$0x0] =	vst.idx.add.s32.msk vm5, v1;
	v16 =	vand.u32 $0xFFFF, v16;
	v5 =	vand.u32 $0xFFFF, v62;
	vm2 =	veq.s32 v57, v2  }
0x84: {  	vm11 =	veq.s32 v61, v2;
	vm12 =	veq.s32 v10, v2;
	v10 =	vshrl.u32 v62, $0x10  }
0x85: {  	vm13 =	veq.s32 v10, v2;
	v10 =	vand.u32 $0xFFFF, v21;
	[tilespmem:v8+s16+$0x0] =	vst.idx.add.s32.msk vm3, v1;
	vm3 =	vnez.u8 v3  }
0x86: {  	s21 =	sadd.s32 $0x10, s21;
	vm6 =	vmmov vm11;
	vm4 =	vmmov vm12;
	[tilespmem:v15+s16+$0x0] =	vst.idx.add.s32.msk vm0, v1;
	vm0 =	vnez.u8 v13  }
0x87: {  	p0 =	slt.u32 s21, $0x3F0;
	vm5 =	vmmov vm13;
	vm14 =	veq.s32 v7, v2;
	[tilespmem:$0x1FFF0] =	vst v11;
	v11 =	vshrl.u32 v21, $0x10  }
.Ltmp1:
0x88: {  	v7 =	vand.u32 $0xFFFF, v24;
	vm15 =	veq.s32 v11, v2;
	v11 =	vshrl.u32 v23, $0x10;
	(pc) =	sbr.rel @p0 .LBB2_5-.Ltmp1, $4  }
0x89: {  	v12 =	vand.u32 $0xFFFF, v17;
	vm10 =	veq.s32 v11, v2;
	vm1 =	veq.s32 v6, v2  }
0x8a: {  	v11 =	vand.u32 $0xFFFF, v20;
	v6 =	vand.u32 $0xFFFF, v25;
	vm9 =	vmmov vm15  }
0x8b: {  	vm7 =	vmmov vm10;
	vm10 =	vmmov vm1;
	v9 =	vand.u32 $0xFFFF, v58;
	[tilespmem:v14+s16+$0x0] =	vst.idx.add.s32.msk vm3, v1  }
0x8c: {  	s22 =	sadd.s32 $0x8, s22;
	s23 =	sadd.s32 $0x400, s23;
	v8 =	vand.u32 $0xFFFF, v23;
	v3 =	vand.u32 $0xFFFF, v63;
	vm3 =	vmmov vm14;
	[tilespmem:v16+s16+$0x0] =	vst.idx.add.s32.msk vm0, v1  }
0x8d: {  	_ =	sdelay $0x2  }
0x8e: {  	v13 =	vld [tilespmem:$0x1FFF0];
	_ =	sdelay $0x1  }
0x8f: {  	[tilespmem:v11+s16+$0x0] =	vst.idx.add.s32.msk vm2, v1  }
0x90: {  	[tilespmem:v10+s16+$0x0] =	vst.idx.add.s32.msk vm9, v1  }
0x91: {  	[tilespmem:v9+s16+$0x0] =	vst.idx.add.s32.msk vm8, v1  }
0x92: {  	s21 =	sshll.u32 s20, $0x1;
	[tilespmem:v8+s16+$0x0] =	vst.idx.add.s32.msk vm7, v1;
	vm0 =	vnez.u8 v13  }
0x93: {  	[tilespmem:v7+s16+$0x0] =	vst.idx.add.s32.msk vm6, v1;
	s21 =	smin.u32 s21, $0x1D  }
0x94: {  	[tilespmem:v6+s16+$0x0] =	vst.idx.add.s32.msk vm4, v1;
	s21 =	sadd.s32 $0x2, s21  }
0x95: {  	[tilespmem:v5+s16+$0x0] =	vst.idx.add.s32.msk vm5, v1;
	s22 =	sshll.u32 s21, $0xB;
	s21 =	sshll.u32 s21, $0x6  }
0x96: {  	[tilespmem:v4+s16+$0x0] =	vst.idx.add.s32.msk vm3, v1;
	s22 =	sadd.s32 s5, s22;
	s21 =	sand.u32 $0x40, s21  }
0x97: {  	[tilespmem:v3+s16+$0x0] =	vst.idx.add.s32.msk vm10, v1;
	s22 =	sand.u32 $0x3FF000, s22;
	s21 =	sadd.s32 s1, s21  }
0x98: {  	s30 =	simm.s32 $0x0;
	s21 =	sadd.s32 s22, s21;
	[tilespmem:v12+s16+$0x0] =	vst.idx.add.s32.msk vm0, v1  }
0x99: {  	[tilespmem:s30], [sflag:$0x1] =	stream.strided.gather [hbm4b:s21+s12], $0x4000, s13, s12, $0x38;
	[tilespmem:$0x18080] =	vst v63  }
0x9a: {  	_ =	swait.ge [sflag:s17], $0x4000  }
0x9b: {  	s31 =	sand.u32 $0x3C00, s30;
	s22 =	sand.u32 $0x180, s30;
	[sflag:s17] =	ssyncset.done $0x0  }
0x9c: {  	s21 =	sor.u32 s22, s31;
	[sflag:s17] =	ssyncadd.s32 $0xFFFFC000  }
0x9d: {  	v3 =	vld [tilespmem:s21+$0x4270]  }
0x9e: {  	v4 =	vld [tilespmem:s21+$0x4000]  }
0x9f: {  	v5 =	vld [tilespmem:s21+$0x4010]  }
0xa0: {  	v6 =	vld [tilespmem:s21+$0x4020]  }
0xa1: {  	v7 =	vld [tilespmem:s21+$0x4030]  }
0xa2: {  	v8 =	vld [tilespmem:s21+$0x4040]  }
0xa3: {  	v9 =	vld [tilespmem:s21+$0x4050]  }
0xa4: {  	v12 =	vld [tilespmem:s21+$0x4060]  }
0xa5: {  	v13 =	vld [tilespmem:s21+$0x4070]  }
0xa6: {  	v14 =	vld [tilespmem:s21+$0x4200]  }
0xa7: {  	v15 =	vld [tilespmem:s21+$0x4210]  }
0xa8: {  	v16 =	vld [tilespmem:s21+$0x4220]  }
0xa9: {  	v18 =	vld [tilespmem:s21+$0x4240]  }
0xaa: {  	v3 =	vand.u32 $0x7FFFFFFF, v3;
	v4 =	vand.u32 $0x7FFFFFFF, v4  }
0xab: {  	v5 =	vand.u32 $0x7FFFFFFF, v5;
	v6 =	vand.u32 $0x7FFFFFFF, v6;
	v7 =	vand.u32 $0x7FFFFFFF, v7  }
0xac: {  	v8 =	vand.u32 $0x7FFFFFFF, v8;
	v9 =	vand.u32 $0x7FFFFFFF, v9;
	v17 =	vand.u32 $0x7FFFFFFF, v12  }
0xad: {  	v13 =	vand.u32 $0x7FFFFFFF, v13;
	v14 =	vand.u32 $0x7FFFFFFF, v14;
	v15 =	vand.u32 $0x7FFFFFFF, v15  }
0xae: {  	v16 =	vand.u32 $0x7FFFFFFF, v16;
	v18 =	vand.u32 $0x7FFFFFFF, v18;
	v10 =	vshrl.u32 v3, $0x10  }
0xaf: {  	v11 =	vshrl.u32 v4, $0x10;
	v3 =	vand.u32 $0xFFFF, v3;
	v4 =	vand.u32 $0xFFFF, v4  }
0xb0: {  	v22 =	vand.u32 $0xFFFF, v6;
	v23 =	vand.u32 $0xFFFF, v7;
	v24 =	vand.u32 $0xFFFF, v8  }
0xb1: {  	vm3 =	veq.s32 v10, v2;
	v10 =	vshrl.u32 v5, $0x10;
	vm4 =	veq.s32 v11, v2  }
0xb2: {  	v12 =	vld [tilespmem:s21+$0x4230];
	v11 =	vshrl.u32 v6, $0x10;
	v5 =	vand.u32 $0xFFFF, v5;
	vm5 =	veq.s32 v10, v2  }
0xb3: {  	v10 =	vshrl.u32 v7, $0x10;
	vm6 =	veq.s32 v11, v2;
	v11 =	vshrl.u32 v8, $0x10  }
0xb4: {  	v8 =	vand.u32 $0xFFFF, v15;
	v7 =	vand.u32 $0xFFFF, v16;
	vm7 =	veq.s32 v10, v2  }
0xb5: {  	v10 =	vshrl.u32 v9, $0x10;
	vm2 =	veq.s32 v11, v2;
	v11 =	vshrl.u32 v17, $0x10  }
0xb6: {  	vm15 =	veq.s32 v10, v2;
	vm0 =	veq.s32 v11, v2;
	v11 =	vimm.s32 $0x0  }
0xb7: {  	v10 =	vshrl.u32 v13, $0x10;
	v20 =	vand.u32 $0x7FFFFFFF, v12;
	v11 =	vsel vm0, $0xFFFFFFFF, v11  }
0xb8: {  	v12 =	vand.u32 $0xFFFF, v9;
	vm0 =	veq.s32 v10, v2;
	v10 =	vshrl.u32 v15, $0x10;
	[tilespmem:$0x1FF90] =	vst v11  }
0xb9: {  	v11 =	vshrl.u32 v14, $0x10;
	vm10 =	veq.s32 v10, v2;
	v10 =	vshrl.u32 v16, $0x10;
	v19 =	vld [tilespmem:s21+$0x4250]  }
0xba: {  	vm8 =	veq.s32 v11, v2;
	v11 =	vld [tilespmem:s21+$0x4260];
	vm11 =	veq.s32 v10, v2;
	v10 =	vshrl.u32 v20, $0x10  }
0xbb: {  	v9 =	vand.u32 $0xFFFF, v14;
	vm9 =	vmmov vm0;
	[tilespmem:v4+s16+$0x0] =	vst.idx.add.s32.msk vm4, v1;
	vm1 =	veq.s32 v10, v2  }
0xbc: {  	v10 =	vshrl.u32 v18, $0x10;
	[tilespmem:v5+s16+$0x0] =	vst.idx.add.s32.msk vm5, v1;
	v5 =	vand.u32 $0xFFFF, v18;
	vm8 =	vmmov vm8  }
0xbd: {  	vm5 =	vmmov vm11;
	vm12 =	veq.s32 v10, v2;
	[tilespmem:v23+s16+$0x0] =	vst.idx.add.s32.msk vm7, v1;
	vm7 =	vmmov vm10  }
0xbe: {  	[tilespmem:v22+s16+$0x0] =	vst.idx.add.s32.msk vm6, v1;
	vm4 =	vmmov vm1;
	vm6 =	vmmov vm12;
	v19 =	vand.u32 $0x7FFFFFFF, v19  }
0xbf: {  	v21 =	vand.u32 $0x7FFFFFFF, v11;
	v11 =	vand.u32 $0xFFFF, v17;
	v10 =	vshrl.u32 v19, $0x10  }
0xc0: {  	[tilespmem:v3+s16+$0x0] =	vst.idx.add.s32.msk vm3, v1;
	v6 =	vshrl.u32 v21, $0x10;
	v4 =	vand.u32 $0xFFFF, v19;
	v3 =	vand.u32 $0xFFFF, v21  }
0xc1: {  	vm13 =	veq.s32 v10, v2;
	vm14 =	veq.s32 v6, v2;
	v10 =	vand.u32 $0xFFFF, v13  }
0xc2: {  	s23 =	simm.s32 $0x400;
	s22 =	simm.s32 $0x8;
	s21 =	simm.s32 $0x0;
	[tilespmem:v24+s16+$0x0] =	vst.idx.add.s32.msk vm2, v1;
	v6 =	vand.u32 $0xFFFF, v20;
	vm3 =	vmmov vm13;
	vm2 =	vmmov vm14  }
.LBB2_7:
0xc3: {  	[tilespmem:v12+s16+$0x0] =	vst.idx.add.s32.msk vm15, v1  }
0xc4: {  	v12 =	vld [tilespmem:$0x1FF90];
	_ =	sdelay $0x4  }
0xc5: {  	s24 =	sand.u32 $0x3C00, s23;
	s25 =	sand.u32 $0x180, s22;
	vm0 =	vnez.u8 v12  }
0xc6: {  	s24 =	sor.u32 s25, s24  }
0xc7: {  	v12 =	vld [tilespmem:s24+$0x4000];
	_ =	sdelay $0x1  }
0xc8: {  	v13 =	vld [tilespmem:s24+$0x4010]  }
0xc9: {  	v14 =	vld [tilespmem:s24+$0x4020]  }
0xca: {  	[tilespmem:v11+s16+$0x0] =	vst.idx.add.s32.msk vm0, v1  }
0xcb: {  	v12 =	vand.u32 $0x7FFFFFFF, v12;
	v11 =	vld [tilespmem:s24+$0x4270]  }
0xcc: {  	v15 =	vld [tilespmem:s24+$0x4030];
	v19 =	vshrl.u32 v12, $0x10  }
0xcd: {  	v47 =	vimm.s32 $0x0;
	v26 =	vld [tilespmem:s24+$0x4250];
	vm1 =	veq.s32 v19, v2  }
0xce: {  	[tilespmem:v4+s16+$0x0] =	vst.idx.add.s32.msk vm3, v1;
	v19 =	vsel vm1, $0xFFFFFFFF, v47  }
0xcf: {  	v17 =	vld [tilespmem:s24+$0x4050];
	[tilespmem:$0x1FF30] =	vst v19  }
0xd0: {  	v4 =	vld [tilespmem:$0x1FF30];
	v11 =	vand.u32 $0x7FFFFFFF, v11  }
0xd1: {  	v21 =	vld [tilespmem:s24+$0x4070];
	v18 =	vshrl.u32 v11, $0x10  }
0xd2: {  	v22 =	vld [tilespmem:s24+$0x4200];
	v13 =	vand.u32 $0x7FFFFFFF, v13;
	vm0 =	veq.s32 v18, v2  }
0xd3: {  	v23 =	vld [tilespmem:s24+$0x4210];
	v46 =	vshrl.u32 v13, $0x10;
	v11 =	vand.u32 $0xFFFF, v11  }
0xd4: {  	v49 =	vimm.s32 $0x0;
	[tilespmem:v9+s16+$0x0] =	vst.idx.add.s32.msk vm8, v1;
	vm1 =	veq.s32 v46, v2  }
0xd5: {  	[tilespmem:v8+s16+$0x0] =	vst.idx.add.s32.msk vm7, v1;
	v18 =	vsel vm1, $0xFFFFFFFF, v49;
	vm3 =	vnez.u8 v4  }
0xd6: {  	v24 =	vld [tilespmem:s24+$0x4220];
	v17 =	vand.u32 $0x7FFFFFFF, v17;
	v9 =	vand.u32 $0xFFFF, v12;
	[tilespmem:$0x1FF40] =	vst v18  }
0xd7: {  	v54 =	vshrl.u32 v17, $0x10;
	v4 =	vld [tilespmem:$0x1FF40]  }
0xd8: {  	[tilespmem:v11+s16+$0x0] =	vst.idx.add.s32.msk vm0, v1;
	vm0 =	veq.s32 v54, v2;
	v11 =	vimm.s32 $0x0  }
0xd9: {  	[tilespmem:v7+s16+$0x0] =	vst.idx.add.s32.msk vm5, v1;
	v11 =	vsel vm0, $0xFFFFFFFF, v11  }
0xda: {  	v51 =	vimm.s32 $0x0;
	v16 =	vld [tilespmem:s24+$0x4040];
	v14 =	vand.u32 $0x7FFFFFFF, v14;
	v15 =	vand.u32 $0x7FFFFFFF, v15;
	[tilespmem:$0x1FF60] =	vst v11  }
0xdb: {  	v48 =	vshrl.u32 v14, $0x10;
	v8 =	vand.u32 $0xFFFF, v13;
	v13 =	vand.u32 $0x7FFFFFFF, v26;
	[tilespmem:v9+s16+$0x0] =	vst.idx.add.s32.msk vm3, v1  }
0xdc: {  	v7 =	vshrl.u32 v13, $0x10;
	vm3 =	vnez.u8 v4;
	v4 =	vand.u32 $0xFFFF, v13;
	v13 =	vld [tilespmem:$0x1FF60]  }
0xdd: {  	v53 =	vimm.s32 $0x0;
	v50 =	vshrl.u32 v15, $0x10;
	v20 =	vld [tilespmem:s24+$0x4060];
	vm1 =	veq.s32 v48, v2  }
0xde: {  	v25 =	vld [tilespmem:s24+$0x4230];
	v21 =	vand.u32 $0x7FFFFFFF, v21;
	v19 =	vsel vm1, $0xFFFFFFFF, v51;
	vm1 =	veq.s32 v50, v2  }
0xdf: {  	[tilespmem:v10+s16+$0x0] =	vst.idx.add.s32.msk vm9, v1;
	v18 =	vsel vm1, $0xFFFFFFFF, v53;
	v11 =	vshrl.u32 v21, $0x10  }
0xe0: {  	v55 =	vimm.s32 $0x0;
	v58 =	vld [tilespmem:s24+$0x4240];
	[tilespmem:$0x1FF70] =	vst v18;
	vm15 =	veq.s32 v11, v2  }
0xe1: {  	v16 =	vand.u32 $0x7FFFFFFF, v16;
	vm9 =	vmmov vm15;
	vm15 =	vnez.u8 v13;
	v13 =	vld [tilespmem:$0x1FF70]  }
0xe2: {  	v59 =	vimm.s32 $0x0;
	v27 =	vld [tilespmem:s24+$0x4260];
	v52 =	vshrl.u32 v16, $0x10;
	v20 =	vand.u32 $0x7FFFFFFF, v20  }
0xe3: {  	[tilespmem:v3+s16+$0x0] =	vst.idx.add.s32.msk vm2, v1;
	v57 =	vand.u32 $0x7FFFFFFF, v22;
	v56 =	vshrl.u32 v20, $0x10;
	vm1 =	veq.s32 v52, v2  }
0xe4: {  	v60 =	vshrl.u32 v57, $0x10;
	[tilespmem:$0x1FF50] =	vst v19;
	v19 =	vsel vm1, $0xFFFFFFFF, v55;
	vm0 =	veq.s32 v56, v2  }
0xe5: {  	[tilespmem:$0x1FF80] =	vst v19;
	v19 =	vsel vm0, $0xFFFFFFFF, v59;
	vm0 =	veq.s32 v60, v2  }
0xe6: {  	v3 =	vld [tilespmem:$0x1FF50];
	vm8 =	vmmov vm0;
	vm0 =	vnez.u8 v13  }
0xe7: {  	v23 =	vand.u32 $0x7FFFFFFF, v23;
	v24 =	vand.u32 $0x7FFFFFFF, v24;
	v15 =	vand.u32 $0xFFFF, v15;
	v13 =	vld [tilespmem:$0x1FF80]  }
0xe8: {  	v25 =	vand.u32 $0x7FFFFFFF, v25;
	v62 =	vand.u32 $0x7FFFFFFF, v58;
	v63 =	vand.u32 $0x7FFFFFFF, v27  }
0xe9: {  	[tilespmem:v6+s16+$0x0] =	vst.idx.add.s32.msk vm4, v1;
	v61 =	vshrl.u32 v24, $0x10;
	v10 =	vshrl.u32 v25, $0x10;
	v14 =	vand.u32 $0xFFFF, v14  }
0xea: {  	[tilespmem:v5+s16+$0x0] =	vst.idx.add.s32.msk vm6, v1;
	v6 =	vshrl.u32 v63, $0x10;
	v16 =	vand.u32 $0xFFFF, v16;
	v5 =	vand.u32 $0xFFFF, v62  }
0xeb: {  	vm12 =	veq.s32 v10, v2;
	v10 =	vshrl.u32 v62, $0x10;
	vm2 =	vnez.u8 v3  }
0xec: {  	s21 =	sadd.s32 $0x10, s21;
	vm11 =	veq.s32 v61, v2;
	vm13 =	veq.s32 v10, v2;
	[tilespmem:v15+s16+$0x0] =	vst.idx.add.s32.msk vm0, v1;
	vm0 =	vnez.u8 v13  }
0xed: {  	p0 =	slt.u32 s21, $0x3F0;
	vm14 =	veq.s32 v7, v2;
	v10 =	vand.u32 $0xFFFF, v21;
	v7 =	vand.u32 $0xFFFF, v24  }
.Ltmp2:
0xee: {  	vm5 =	vmmov vm11;
	vm4 =	vmmov vm12;
	v12 =	vand.u32 $0xFFFF, v17;
	(pc) =	sbr.rel @p0 .LBB2_7-.Ltmp2, $4  }
0xef: {  	vm6 =	vmmov vm13;
	vm1 =	veq.s32 v6, v2;
	[tilespmem:$0x1FF90] =	vst v19;
	v11 =	vshrl.u32 v23, $0x10  }
0xf0: {  	v6 =	vand.u32 $0xFFFF, v25;
	v9 =	vand.u32 $0xFFFF, v57;
	vm10 =	veq.s32 v11, v2;
	[tilespmem:v8+s16+$0x0] =	vst.idx.add.s32.msk vm3, v1  }
0xf1: {  	v3 =	vand.u32 $0xFFFF, v63;
	v11 =	vand.u32 $0xFFFF, v20;
	vm7 =	vmmov vm10;
	[tilespmem:v14+s16+$0x0] =	vst.idx.add.s32.msk vm2, v1  }
0xf2: {  	s22 =	sadd.s32 $0x8, s22;
	s23 =	sadd.s32 $0x400, s23;
	v8 =	vand.u32 $0xFFFF, v23;
	vm3 =	vmmov vm14;
	vm2 =	vmmov vm1;
	[tilespmem:v16+s16+$0x0] =	vst.idx.add.s32.msk vm0, v1  }
0xf3: {  	_ =	sdelay $0x4  }
0xf4: {  	[tilespmem:v12+s16+$0x0] =	vst.idx.add.s32.msk vm15, v1  }
0xf5: {  	v12 =	vld [tilespmem:$0x1FF90];
	_ =	sdelay $0x2  }
0xf6: {  	[tilespmem:v10+s16+$0x0] =	vst.idx.add.s32.msk vm9, v1  }
0xf7: {  	[tilespmem:v9+s16+$0x0] =	vst.idx.add.s32.msk vm8, v1  }
0xf8: {  	s20 =	sadd.s32 $0x1, s20;
	[tilespmem:v8+s16+$0x0] =	vst.idx.add.s32.msk vm7, v1;
	vm0 =	vnez.u8 v12  }
0xf9: {  	[tilespmem:v7+s16+$0x0] =	vst.idx.add.s32.msk vm5, v1;
	p0 =	sne.s32 s20, $0x10  }
.Ltmp3:
0xfa: {  	[tilespmem:v6+s16+$0x0] =	vst.idx.add.s32.msk vm4, v1;
	(pc) =	sbr.rel @p0 .LBB2_4-.Ltmp3, $4  }
0xfb: {  	[tilespmem:v5+s16+$0x0] =	vst.idx.add.s32.msk vm6, v1  }
0xfc: {  	[tilespmem:v4+s16+$0x0] =	vst.idx.add.s32.msk vm3, v1  }
0xfd: {  	[tilespmem:v3+s16+$0x0] =	vst.idx.add.s32.msk vm2, v1  }
0xfe: {  	[tilespmem:v11+s16+$0x0] =	vst.idx.add.s32.msk vm0, v1  }
0xff: {  	_ =	swait.ge [sflag:s15], $0x4000;
	s4 =	sadd.s32 $0x1, s4  }
0x100: {  	[sflag:s15] =	ssyncset.done $0x0;
	p0 =	sne.s32 s4, s9  }
.Ltmp4:
0x101: {  	[sflag:s15] =	ssyncadd.s32 $0xFFFFC000;
	(pc) =	sbr.rel @p0 .LBB2_1-.Ltmp4, $4  }
0x102: {  	[hbm4b:s8+s18] =	stream.strided.scatter [tilespmem:s16], [sflag:$0x3], $0x10000, s13, s18, $0x38;
	[tilespmem:$0x18080] =	vst v63  }
0x103: {  	_ =	swait.ge [sflag:s11], $0x10000  }
0x104: {  	[sflag:s11] =	ssyncset.done $0x0  }
0x105: {  	[sflag:s11] =	ssyncadd.s32 $0xFFFF0000  }
0x106: {  	_ =	sfence.sel $0x180000  }
0x107: {  	[bflag:$0x0] =	sbarrier.arrive $0xFFFF  }
0x108: {  	p0 =	sne.s32 s0, $0x0;
	_ =	strace $0x9000004A  }
0x109: {  	s0 =	sadd.s32 @!p0 $0x100000, s2;
	[bflag:$0x2] =	sbarrier.arrive $0xFFFF  }
0x10a: {  	[sflag:s0] =	ssyncadd.tile.s32 @!p0 $0x1;
	_ =	shalt  }
.Lfunc_end2:
_tile_overlayer_lowered:
.L_overlay_start_2:
0x10b: {  	(tag) =	ssettag $0x2  }
0x10c: {  	s0 =	rddreg [dreg:$0x0];
	s2 =	stileid.u32  }
0x10d: {  	s1 =	rddreg [dreg:$0x1];
	p0 =	sne.s32 s2, $0x0  }
0x10e: {  	s3 =	rddreg [dreg:$0x2];
	[bflag:$0x3] =	sbarrier.arrive $0xFFFF;
	s2 =	simm.s32 @!p0 $0x1C03  }
0x10f: {  	[timem:s3], [sflag:s2] =	dma.local @!p0 [hbm:s0], s1  }
0x110: {  	s0 =	simm.s32 @!p0 $0x3  }
0x111: {  	_ =	swait.ge @!p0 [sflag:s0], s1  }
0x112: {  	s1 =	ssub.s32 @!p0 $0x0, s1;
	[sflag:s0] =	ssyncset.done @!p0 $0x0  }
0x113: {  	[sflag:s0] =	ssyncadd.s32 @!p0 s1  }
0x114: {  	[bflag:$0x3] =	sbarrier.arrive $0xFFFF  }
0x115: {  	_ =	shalt  }

</sc_bundles>
